<compile_context>
chip_gen: v7x
topology: tpu7x:2x2x1
jax: 0.10.2.dev20260603
libtpu: 0.0.44.dev20260713+nightly
codegen_flags: <defaults>
</compile_context>

<pallas_src>
import functools

import jax
import jax.numpy as jnp
from jax import lax
from jax.experimental import pallas as pl
from jax.experimental.pallas import tpu as pltpu

DB = 2048
TOP_K = 100
NSEL = 104
G = 16
CAND = NSEL * G

_INTERPRET = False
NEG = float("-inf")


def _scores_body(n_docs, pq0_ref, pq1_ref, pd0_ref, pd1_ref,
                 l0_ref, l1t_ref, l2t_ref):
    i = pl.program_id(0)
    s0 = lax.dot_general(pq0_ref[...], pd0_ref[...],
                         (((1,), (1,)), ((), ())),
                         preferred_element_type=jnp.float32)
    s1 = lax.dot_general(pq1_ref[...], pd1_ref[...],
                         (((1,), (1,)), ((), ())),
                         preferred_element_type=jnp.float32)
    s = s0 + s1
    col = i * DB + lax.broadcasted_iota(jnp.int32, s.shape, 1)
    s = jnp.where(col < n_docs, s, jnp.float32(-1.0))
    l0_ref[...] = s
    nq = s.shape[0]
    st = jnp.swapaxes(s, 0, 1)
    p1 = jnp.max(st.reshape(DB // G, G, nq), axis=1)
    p2 = jnp.max(p1.reshape(DB // 256, G, nq), axis=1)
    l1t_ref[...] = p1
    l2t_ref[...] = p2


def _compute_scores(pq0, pq1, pd0, pd1, n_docs):
    nq = pq0.shape[0]
    ndp = pd0.shape[0]
    nb = ndp // DB
    grid = (nb,)
    return pl.pallas_call(
        functools.partial(_scores_body, n_docs),
        grid=grid,
        in_specs=[
            pl.BlockSpec((nq, 32), lambda i: (0, 0)),
            pl.BlockSpec((nq, 32), lambda i: (0, 0)),
            pl.BlockSpec((DB, 32), lambda i: (i, 0)),
            pl.BlockSpec((DB, 32), lambda i: (i, 0)),
        ],
        out_specs=[
            pl.BlockSpec((nq, DB), lambda i: (0, i)),
            pl.BlockSpec((DB // G, nq), lambda i: (i, 0)),
            pl.BlockSpec((DB // 256, nq), lambda i: (i, 0)),
        ],
        out_shape=[
            jax.ShapeDtypeStruct((nq, ndp), jnp.float32),
            jax.ShapeDtypeStruct((ndp // G, nq), jnp.float32),
            jax.ShapeDtypeStruct((ndp // 256, nq), jnp.float32),
        ],
        compiler_params=pltpu.CompilerParams(
            dimension_semantics=("parallel",)),
        interpret=_INTERPRET,
    )(pq0, pq1, pd0, pd1)


def _extract_step(work_ref, ids, k, out_ids, out_vals, want_vals):
    row = work_ref[...]
    m = jnp.max(row, axis=1, keepdims=True)
    col = lax.broadcasted_iota(jnp.int32, row.shape, 1)
    cand_ids = ids if ids is not None else col
    sel = jnp.min(jnp.where(row == m, cand_ids, jnp.int32(2**30)),
                  axis=1, keepdims=True)
    hit = (row == m) & (cand_ids == sel)
    work_ref[...] = jnp.where(hit, NEG, row)
    kcol = lax.broadcasted_iota(jnp.int32, out_ids.shape, 1)
    out_ids = jnp.where(kcol == k, sel, out_ids)
    if want_vals:
        out_vals = jnp.where(kcol == k, m, out_vals)
    return out_ids, out_vals


def _extract_l2_body(vals_ref, ids_out_ref, work_ref):
    nq = vals_ref.shape[0]
    work_ref[...] = vals_ref[...]

    def step(k, carry):
        return _extract_step(work_ref, None, k, carry[0], carry[1], False)

    ids0 = jnp.zeros((nq, NSEL), jnp.int32)
    out_ids, _ = lax.fori_loop(0, NSEL, step, (ids0, ids0))
    ids_out_ref[...] = out_ids


def _extract_cand_body(n_out, want_vals, vals_ref, ids_ref, ids_out_ref,
                       *rest):
    if want_vals:
        vals_out_ref, work_ref = rest
    else:
        (work_ref,) = rest
    nq = vals_ref.shape[0]
    work_ref[...] = vals_ref[...]
    ids = ids_ref[...]

    def step(k, carry):
        return _extract_step(work_ref, ids, k, carry[0], carry[1], want_vals)

    ids0 = jnp.zeros((nq, n_out), jnp.int32)
    vals0 = jnp.zeros((nq, n_out), jnp.float32)
    out_ids, out_vals = lax.fori_loop(0, n_out, step, (ids0, vals0))
    ids_out_ref[...] = out_ids
    if want_vals:
        vals_out_ref[...] = out_vals


def _extract_l2(l2, qb):
    nq, w2 = l2.shape
    grid = (nq // qb,)
    return pl.pallas_call(
        _extract_l2_body,
        grid=grid,
        in_specs=[pl.BlockSpec((qb, w2), lambda i: (i, 0))],
        out_specs=pl.BlockSpec((qb, NSEL), lambda i: (i, 0)),
        out_shape=jax.ShapeDtypeStruct((nq, NSEL), jnp.int32),
        scratch_shapes=[pltpu.VMEM((qb, w2), jnp.float32)],
        compiler_params=pltpu.CompilerParams(
            dimension_semantics=("parallel",)),
        interpret=_INTERPRET,
    )(l2)


def _extract_cand(vals, ids, n_out, want_vals, qb):
    nq, w = vals.shape
    grid = (nq // qb,)
    out_specs = [pl.BlockSpec((qb, n_out), lambda i: (i, 0))]
    out_shape = [jax.ShapeDtypeStruct((nq, n_out), jnp.int32)]
    if want_vals:
        out_specs.append(pl.BlockSpec((qb, n_out), lambda i: (i, 0)))
        out_shape.append(jax.ShapeDtypeStruct((nq, n_out), jnp.float32))
    res = pl.pallas_call(
        functools.partial(_extract_cand_body, n_out, want_vals),
        grid=grid,
        in_specs=[
            pl.BlockSpec((qb, w), lambda i: (i, 0)),
            pl.BlockSpec((qb, w), lambda i: (i, 0)),
        ],
        out_specs=out_specs,
        out_shape=out_shape,
        scratch_shapes=[pltpu.VMEM((qb, w), jnp.float32)],
        compiler_params=pltpu.CompilerParams(
            dimension_semantics=("parallel",)),
        interpret=_INTERPRET,
    )(vals, ids)
    return res


def _sc_gather_rows(table2d, flat_idx):
    from jax.experimental.pallas import tpu_sc as plsc

    info = plsc.get_sparse_core_info()
    nc, ns = info.num_cores, info.num_subcores
    nw = nc * ns
    b = flat_idx.shape[0]
    nch = b // (nw * 128)
    idx3 = flat_idx.reshape(nw, nch, 128)
    mesh = plsc.VectorSubcoreMesh(core_axis_name="c", subcore_axis_name="s")

    @functools.partial(
        pl.kernel, mesh=mesh,
        out_type=jax.ShapeDtypeStruct((nw, nch, 128, G), jnp.float32),
        compiler_params=pltpu.CompilerParams(use_tc_tiling_on_sc=False),
        scratch_types=[
            pltpu.VMEM((nch, 128), jnp.int32),
            pltpu.VMEM((nch, 128, G), jnp.float32),
            pltpu.SemaphoreType.DMA,
        ],
    )
    def gk(table_hbm, idx_hbm, out_hbm, idx_v, rows_v, sem):
        wid = lax.axis_index("s") * nc + lax.axis_index("c")
        pltpu.sync_copy(idx_hbm.at[wid], idx_v)
        half = (nch + 1) // 2
        for lo in (0, half):
            hi = min(lo + half, nch)
            copies = [
                pltpu.async_copy(table_hbm.at[idx_v.at[j]], rows_v.at[j], sem)
                for j in range(lo, hi)
            ]
            for cp in copies:
                cp.wait()
        pltpu.sync_copy(rows_v, out_hbm.at[wid])

    return gk(table2d, idx3).reshape(b, G)


def _gather_rows(table2d, flat_idx):
    if _INTERPRET or flat_idx.shape[0] % (32 * 128) != 0:
        return jnp.take(table2d, flat_idx, axis=0)
    return _sc_gather_rows(table2d, flat_idx)


def kernel(queries, documents, Wq, bq, Wd, bd):
    n_docs = documents.shape[0]
    nq = queries.shape[0]
    ndp = ((n_docs + DB - 1) // DB) * DB
    nb = ndp // DB
    qb = 512 if nq % 512 == 0 else nq

    d_logits = documents @ Wd + bd
    q_logits = queries @ Wq + bq
    pq0 = jnp.exp(jax.nn.log_sigmoid(-q_logits))
    pq1 = jnp.exp(jax.nn.log_sigmoid(q_logits))
    pd0 = jnp.exp(jax.nn.log_sigmoid(-d_logits))
    pd1 = jnp.exp(jax.nn.log_sigmoid(d_logits))
    pad = ndp - n_docs
    pd0 = jnp.pad(pd0, ((0, pad), (0, 0)))
    pd1 = jnp.pad(pd1, ((0, pad), (0, 0)))

    l0, l1t, l2t = _compute_scores(pq0, pq1, pd0, pd1, n_docs)
    w1 = ndp // G
    w2 = ndp // 256

    l1 = l1t.T
    l2 = l2t.T
    ids2 = _extract_l2(l2, qb)

    k16 = jnp.arange(G, dtype=jnp.int32)
    qrow = (jnp.arange(nq, dtype=jnp.int32) * w2)[:, None]
    ids1_exp = (ids2[:, :, None] * G + k16).reshape(nq, CAND)
    cand1 = _gather_rows(l1.reshape(nq * w2, G),
                         (ids2 + qrow).reshape(-1)).reshape(nq, CAND)
    (ids1,) = _extract_cand(cand1, ids1_exp, NSEL, False, qb)

    ids0_exp = (ids1[:, :, None] * G + k16).reshape(nq, CAND)
    cand0 = jnp.take_along_axis(l0, ids0_exp, axis=1)
    top_ids, top_vals = _extract_cand(cand0, ids0_exp, TOP_K, True, qb)
    return top_vals, top_ids

# --- scband reference (transcript-rebuilt; emitter-appended) ---
"""Pipeline reference for scband-efficient-learnable-binary-access-34239479283944 (READ-ONLY COPY).

The authoritative reference and input builder live on the scoring server;
editing this copy changes nothing except your own understanding.
"""

import jax, jax.numpy as jnp
import numpy as np

IN_DIM = 128
N_BITS = 32
TOP_K = 100
N_QUERIES = 1024
N_DOCS = 100000


def setup_inputs(seed: int = 0) -> dict:
    key = jax.random.key(seed)
    ks = jax.random.split(key, 6)
    queries = jax.random.normal(ks[0], (N_QUERIES, IN_DIM), dtype=jnp.float32)
    documents = jax.random.normal(ks[1], (N_DOCS, IN_DIM), dtype=jnp.float32)
    # fq / fd parametric encoders modeled as linear layers producing logits (pre-sigmoid)
    Wq = jax.random.normal(ks[2], (IN_DIM, N_BITS), dtype=jnp.float32) / jnp.sqrt(IN_DIM)
    bq = jnp.zeros((N_BITS,), dtype=jnp.float32)
    Wd = jax.random.normal(ks[3], (IN_DIM, N_BITS), dtype=jnp.float32) / jnp.sqrt(IN_DIM)
    bd = jnp.zeros((N_BITS,), dtype=jnp.float32)
    return {"queries": queries, "documents": documents, "Wq": Wq, "bq": bq, "Wd": Wd, "bd": bd}


def _log_sigmoid_pairs(logits):
    # torch: stack([logsigmoid(-logits), logsigmoid(logits)], dim=1) -> [B, 2, n_bits]
    return jnp.stack([jax.nn.log_sigmoid(-logits), jax.nn.log_sigmoid(logits)], axis=1)


def reference(queries, documents, Wq, bq, Wd, bd):
    # fd(documents) -> document Multi-Bernoulli log-prob pairs (batch_insert path)
    d_logits = documents @ Wd + bd               # [K, n_bits]
    dmb = _log_sigmoid_pairs(d_logits)           # [K, 2, n_bits]
    # fq(queries) -> query Multi-Bernoulli log-prob pairs (batch_search path)
    q_logits = queries @ Wq + bq                 # [Q, n_bits]
    qmb = _log_sigmoid_pairs(q_logits)           # [Q, 2, n_bits]
    # struct.batch_search: expected number of matching bits between MB codes
    # score[q, k] = sum_b ( P(q_b=0)P(d_b=0) + P(q_b=1)P(d_b=1) )
    pq = jnp.exp(qmb)                            # [Q, 2, n_bits]
    pd = jnp.exp(dmb)                            # [K, 2, n_bits]
    scores = pq[:, 0, :] @ pd[:, 0, :].T + pq[:, 1, :] @ pd[:, 1, :].T  # [Q, K]
    topk_scores, topk_indexes = jax.lax.top_k(scores, TOP_K)
    return topk_scores, topk_indexes

if __name__ == "__main__":
    import jax
    _d = setup_inputs()
    print(jax.jit(kernel)(*tuple(_d.values())))

</pallas_src>

<mosaic_0001>
#map = affine_map<(d0, d1) -> (0, 0)>
#map1 = affine_map<(d0, d1) -> (0, 0, 0)>
#map2 = affine_map<(d0, d1) -> (0, 0, 0, 0)>
module attributes {stable_mosaic.version = 14 : i64} {
  func.func @gk(%arg0: i32, %arg1: i32, %arg2: memref<401408x16xf32, #tpu.memory_space<hbm>>, %arg3: memref<32x26x128xi32, #tpu.memory_space<hbm>>, %arg4: memref<32x26x128x16xf32, #tpu.memory_space<hbm>>, %arg5: memref<26x128xi32, #tpu.memory_space<vmem>>, %arg6: memref<26x128x16xf32, #tpu.memory_space<vmem>>, %arg7: memref<!tpu.dma_semaphore, #tpu.memory_space<semaphore_mem>>) attributes {dimension_semantics = [#tpu.dimension_semantics<core_parallel>, #tpu.dimension_semantics<subcore_parallel>], iteration_bounds = array<i64: 2, 16>, scalar_prefetch = 0 : i64, scratch_operands = 3 : i64, tpu.core_type = #tpu.core_type<sc_vector_subcore>, window_params = [{transform_indices = #map}, {transform_indices = #map1}, {transform_indices = #map2}]} {
    %mul3A = arith.constant 2 : i32
    %mul3A_0 = arith.muli %arg1, %mul3A : i32
    %add3A = arith.addi %mul3A_0, %arg0 : i32
    "tpu.region"() ({
      %run_scoped3A = tpu.sem_alloc : memref<!tpu.dma_semaphore, #tpu.memory_space<semaphore_mem>>
      %dma_start3A_623 = arith.constant 0 : i32
      %dma_start3A_624 = arith.constant 0 : i32
      %dma_start3A_625 = tpu.memref_slice %arg3[%add3A, %dma_start3A_623, %dma_start3A_624] : memref<32x26x128xi32, #tpu.memory_space<hbm>> -> memref<1x26x128xi32, #tpu.memory_space<hbm>>
      %dma_start3A_626 = tpu.memref_squeeze %dma_start3A_625 : memref<1x26x128xi32, #tpu.memory_space<hbm>> -> memref<26x128xi32, #tpu.memory_space<hbm>>
      %dma_start3A_627 = arith.constant 0 : i32
      %dma_start3A_628 = arith.constant 0 : i32
      %dma_start3A_629 = tpu.memref_slice %arg3[%add3A, %dma_start3A_627, %dma_start3A_628] : memref<32x26x128xi32, #tpu.memory_space<hbm>> -> memref<1x26x128xi32, #tpu.memory_space<hbm>>
      %dma_start3A_630 = tpu.memref_squeeze %dma_start3A_629 : memref<1x26x128xi32, #tpu.memory_space<hbm>> -> memref<26x128xi32, #tpu.memory_space<hbm>>
      tpu.enqueue_dma source(%dma_start3A_630 : memref<26x128xi32, #tpu.memory_space<hbm>>) target(%arg5 : memref<26x128xi32, #tpu.memory_space<vmem>>) target_semaphore(%run_scoped3A : memref<!tpu.dma_semaphore, #tpu.memory_space<semaphore_mem>>)
      %dma_wait3A_631 = arith.constant 0 : i32
      %dma_wait3A_632 = arith.constant 0 : i32
      %dma_wait3A_633 = tpu.memref_slice %arg3[%add3A, %dma_wait3A_631, %dma_wait3A_632] : memref<32x26x128xi32, #tpu.memory_space<hbm>> -> memref<1x26x128xi32, #tpu.memory_space<hbm>>
      %dma_wait3A_634 = tpu.memref_squeeze %dma_wait3A_633 : memref<1x26x128xi32, #tpu.memory_space<hbm>> -> memref<26x128xi32, #tpu.memory_space<hbm>>
      %dma_wait3A_635 = arith.constant 0 : i32
      %dma_wait3A_636 = arith.constant 0 : i32
      %dma_wait3A_637 = tpu.memref_slice %arg3[%add3A, %dma_wait3A_635, %dma_wait3A_636] : memref<32x26x128xi32, #tpu.memory_space<hbm>> -> memref<1x26x128xi32, #tpu.memory_space<hbm>>
      %dma_wait3A_638 = tpu.memref_squeeze %dma_wait3A_637 : memref<1x26x128xi32, #tpu.memory_space<hbm>> -> memref<26x128xi32, #tpu.memory_space<hbm>>
      tpu.wait_dma2 semaphore(%run_scoped3A : memref<!tpu.dma_semaphore, #tpu.memory_space<semaphore_mem>>) src(%dma_wait3A_638 : memref<26x128xi32, #tpu.memory_space<hbm>>) dst(%arg5 : memref<26x128xi32, #tpu.memory_space<vmem>>)
      tpu.yield
    }) : () -> ()
    %dma_start3A = arith.constant 0 : i32
    %dma_start3A_1 = arith.constant 0 : i32
    %dma_start3A_2 = arith.constant 0 : i32
    %dma_start3A_3 = arith.constant 0 : i32
    %dma_start3A_4 = tpu.memref_slice %arg6[%dma_start3A_1, %dma_start3A_2, %dma_start3A_3] : memref<26x128x16xf32, #tpu.memory_space<vmem>> -> memref<1x128x16xf32, #tpu.memory_space<vmem>>
    %dma_start3A_5 = tpu.memref_squeeze %dma_start3A_4 : memref<1x128x16xf32, #tpu.memory_space<vmem>> -> memref<128x16xf32, #tpu.memory_space<vmem>>
    %dma_start3A_6 = arith.constant 0 : i32
    %dma_start3A_7 = tpu.memref_slice %arg5[%dma_start3A, %dma_start3A_6] : memref<26x128xi32, #tpu.memory_space<vmem>> -> memref<1x128xi32, #tpu.memory_space<vmem>>
    %dma_start3A_8 = tpu.memref_squeeze %dma_start3A_7 : memref<1x128xi32, #tpu.memory_space<vmem>> -> memref<128xi32, #tpu.memory_space<vmem>>
    %dma_start3A_9 = arith.constant 0 : i32
    %dma_start3A_10 = arith.constant 0 : i32
    %dma_start3A_11 = tpu.memref_slice %arg2[%dma_start3A_9, %dma_start3A_10] : memref<401408x16xf32, #tpu.memory_space<hbm>> -> memref<401408x16xf32, #tpu.memory_space<hbm>>
    tpu.enqueue_indirect_dma source(%dma_start3A_11 : memref<401408x16xf32, #tpu.memory_space<hbm>>) target(%dma_start3A_5 : memref<128x16xf32, #tpu.memory_space<vmem>>) offsets(%dma_start3A_8 : memref<128xi32, #tpu.memory_space<vmem>>) semaphore(%arg7 : memref<!tpu.dma_semaphore, #tpu.memory_space<semaphore_mem>>)
    %dma_start3A_12 = arith.constant 1 : i32
    %dma_start3A_13 = arith.constant 1 : i32
    %dma_start3A_14 = arith.constant 0 : i32
    %dma_start3A_15 = arith.constant 0 : i32
    %dma_start3A_16 = tpu.memref_slice %arg6[%dma_start3A_13, %dma_start3A_14, %dma_start3A_15] : memref<26x128x16xf32, #tpu.memory_space<vmem>> -> memref<1x128x16xf32, #tpu.memory_space<vmem>>
    %dma_start3A_17 = tpu.memref_squeeze %dma_start3A_16 : memref<1x128x16xf32, #tpu.memory_space<vmem>> -> memref<128x16xf32, #tpu.memory_space<vmem>>
    %dma_start3A_18 = arith.constant 0 : i32
    %dma_start3A_19 = tpu.memref_slice %arg5[%dma_start3A_12, %dma_start3A_18] : memref<26x128xi32, #tpu.memory_space<vmem>> -> memref<1x128xi32, #tpu.memory_space<vmem>>
    %dma_start3A_20 = tpu.memref_squeeze %dma_start3A_19 : memref<1x128xi32, #tpu.memory_space<vmem>> -> memref<128xi32, #tpu.memory_space<vmem>>
    %dma_start3A_21 = arith.constant 0 : i32
    %dma_start3A_22 = arith.constant 0 : i32
    %dma_start3A_23 = tpu.memref_slice %arg2[%dma_start3A_21, %dma_start3A_22] : memref<401408x16xf32, #tpu.memory_space<hbm>> -> memref<401408x16xf32, #tpu.memory_space<hbm>>
    tpu.enqueue_indirect_dma source(%dma_start3A_23 : memref<401408x16xf32, #tpu.memory_space<hbm>>) target(%dma_start3A_17 : memref<128x16xf32, #tpu.memory_space<vmem>>) offsets(%dma_start3A_20 : memref<128xi32, #tpu.memory_space<vmem>>) semaphore(%arg7 : memref<!tpu.dma_semaphore, #tpu.memory_space<semaphore_mem>>)
    %dma_start3A_24 = arith.constant 2 : i32
    %dma_start3A_25 = arith.constant 2 : i32
    %dma_start3A_26 = arith.constant 0 : i32
    %dma_start3A_27 = arith.constant 0 : i32
    %dma_start3A_28 = tpu.memref_slice %arg6[%dma_start3A_25, %dma_start3A_26, %dma_start3A_27] : memref<26x128x16xf32, #tpu.memory_space<vmem>> -> memref<1x128x16xf32, #tpu.memory_space<vmem>>
    %dma_start3A_29 = tpu.memref_squeeze %dma_start3A_28 : memref<1x128x16xf32, #tpu.memory_space<vmem>> -> memref<128x16xf32, #tpu.memory_space<vmem>>
    %dma_start3A_30 = arith.constant 0 : i32
    %dma_start3A_31 = tpu.memref_slice %arg5[%dma_start3A_24, %dma_start3A_30] : memref<26x128xi32, #tpu.memory_space<vmem>> -> memref<1x128xi32, #tpu.memory_space<vmem>>
    %dma_start3A_32 = tpu.memref_squeeze %dma_start3A_31 : memref<1x128xi32, #tpu.memory_space<vmem>> -> memref<128xi32, #tpu.memory_space<vmem>>
    %dma_start3A_33 = arith.constant 0 : i32
    %dma_start3A_34 = arith.constant 0 : i32
    %dma_start3A_35 = tpu.memref_slice %arg2[%dma_start3A_33, %dma_start3A_34] : memref<401408x16xf32, #tpu.memory_space<hbm>> -> memref<401408x16xf32, #tpu.memory_space<hbm>>
    tpu.enqueue_indirect_dma source(%dma_start3A_35 : memref<401408x16xf32, #tpu.memory_space<hbm>>) target(%dma_start3A_29 : memref<128x16xf32, #tpu.memory_space<vmem>>) offsets(%dma_start3A_32 : memref<128xi32, #tpu.memory_space<vmem>>) semaphore(%arg7 : memref<!tpu.dma_semaphore, #tpu.memory_space<semaphore_mem>>)
    %dma_start3A_36 = arith.constant 3 : i32
    %dma_start3A_37 = arith.constant 3 : i32
    %dma_start3A_38 = arith.constant 0 : i32
    %dma_start3A_39 = arith.constant 0 : i32
    %dma_start3A_40 = tpu.memref_slice %arg6[%dma_start3A_37, %dma_start3A_38, %dma_start3A_39] : memref<26x128x16xf32, #tpu.memory_space<vmem>> -> memref<1x128x16xf32, #tpu.memory_space<vmem>>
    %dma_start3A_41 = tpu.memref_squeeze %dma_start3A_40 : memref<1x128x16xf32, #tpu.memory_space<vmem>> -> memref<128x16xf32, #tpu.memory_space<vmem>>
    %dma_start3A_42 = arith.constant 0 : i32
    %dma_start3A_43 = tpu.memref_slice %arg5[%dma_start3A_36, %dma_start3A_42] : memref<26x128xi32, #tpu.memory_space<vmem>> -> memref<1x128xi32, #tpu.memory_space<vmem>>
    %dma_start3A_44 = tpu.memref_squeeze %dma_start3A_43 : memref<1x128xi32, #tpu.memory_space<vmem>> -> memref<128xi32, #tpu.memory_space<vmem>>
    %dma_start3A_45 = arith.constant 0 : i32
    %dma_start3A_46 = arith.constant 0 : i32
    %dma_start3A_47 = tpu.memref_slice %arg2[%dma_start3A_45, %dma_start3A_46] : memref<401408x16xf32, #tpu.memory_space<hbm>> -> memref<401408x16xf32, #tpu.memory_space<hbm>>
    tpu.enqueue_indirect_dma source(%dma_start3A_47 : memref<401408x16xf32, #tpu.memory_space<hbm>>) target(%dma_start3A_41 : memref<128x16xf32, #tpu.memory_space<vmem>>) offsets(%dma_start3A_44 : memref<128xi32, #tpu.memory_space<vmem>>) semaphore(%arg7 : memref<!tpu.dma_semaphore, #tpu.memory_space<semaphore_mem>>)
    %dma_start3A_48 = arith.constant 4 : i32
    %dma_start3A_49 = arith.constant 4 : i32
    %dma_start3A_50 = arith.constant 0 : i32
    %dma_start3A_51 = arith.constant 0 : i32
    %dma_start3A_52 = tpu.memref_slice %arg6[%dma_start3A_49, %dma_start3A_50, %dma_start3A_51] : memref<26x128x16xf32, #tpu.memory_space<vmem>> -> memref<1x128x16xf32, #tpu.memory_space<vmem>>
    %dma_start3A_53 = tpu.memref_squeeze %dma_start3A_52 : memref<1x128x16xf32, #tpu.memory_space<vmem>> -> memref<128x16xf32, #tpu.memory_space<vmem>>
    %dma_start3A_54 = arith.constant 0 : i32
    %dma_start3A_55 = tpu.memref_slice %arg5[%dma_start3A_48, %dma_start3A_54] : memref<26x128xi32, #tpu.memory_space<vmem>> -> memref<1x128xi32, #tpu.memory_space<vmem>>
    %dma_start3A_56 = tpu.memref_squeeze %dma_start3A_55 : memref<1x128xi32, #tpu.memory_space<vmem>> -> memref<128xi32, #tpu.memory_space<vmem>>
    %dma_start3A_57 = arith.constant 0 : i32
    %dma_start3A_58 = arith.constant 0 : i32
    %dma_start3A_59 = tpu.memref_slice %arg2[%dma_start3A_57, %dma_start3A_58] : memref<401408x16xf32, #tpu.memory_space<hbm>> -> memref<401408x16xf32, #tpu.memory_space<hbm>>
    tpu.enqueue_indirect_dma source(%dma_start3A_59 : memref<401408x16xf32, #tpu.memory_space<hbm>>) target(%dma_start3A_53 : memref<128x16xf32, #tpu.memory_space<vmem>>) offsets(%dma_start3A_56 : memref<128xi32, #tpu.memory_space<vmem>>) semaphore(%arg7 : memref<!tpu.dma_semaphore, #tpu.memory_space<semaphore_mem>>)
    %dma_start3A_60 = arith.constant 5 : i32
    %dma_start3A_61 = arith.constant 5 : i32
    %dma_start3A_62 = arith.constant 0 : i32
    %dma_start3A_63 = arith.constant 0 : i32
    %dma_start3A_64 = tpu.memref_slice %arg6[%dma_start3A_61, %dma_start3A_62, %dma_start3A_63] : memref<26x128x16xf32, #tpu.memory_space<vmem>> -> memref<1x128x16xf32, #tpu.memory_space<vmem>>
    %dma_start3A_65 = tpu.memref_squeeze %dma_start3A_64 : memref<1x128x16xf32, #tpu.memory_space<vmem>> -> memref<128x16xf32, #tpu.memory_space<vmem>>
    %dma_start3A_66 = arith.constant 0 : i32
    %dma_start3A_67 = tpu.memref_slice %arg5[%dma_start3A_60, %dma_start3A_66] : memref<26x128xi32, #tpu.memory_space<vmem>> -> memref<1x128xi32, #tpu.memory_space<vmem>>
    %dma_start3A_68 = tpu.memref_squeeze %dma_start3A_67 : memref<1x128xi32, #tpu.memory_space<vmem>> -> memref<128xi32, #tpu.memory_space<vmem>>
    %dma_start3A_69 = arith.constant 0 : i32
    %dma_start3A_70 = arith.constant 0 : i32
    %dma_start3A_71 = tpu.memref_slice %arg2[%dma_start3A_69, %dma_start3A_70] : memref<401408x16xf32, #tpu.memory_space<hbm>> -> memref<401408x16xf32, #tpu.memory_space<hbm>>
    tpu.enqueue_indirect_dma source(%dma_start3A_71 : memref<401408x16xf32, #tpu.memory_space<hbm>>) target(%dma_start3A_65 : memref<128x16xf32, #tpu.memory_space<vmem>>) offsets(%dma_start3A_68 : memref<128xi32, #tpu.memory_space<vmem>>) semaphore(%arg7 : memref<!tpu.dma_semaphore, #tpu.memory_space<semaphore_mem>>)
    %dma_start3A_72 = arith.constant 6 : i32
    %dma_start3A_73 = arith.constant 6 : i32
    %dma_start3A_74 = arith.constant 0 : i32
    %dma_start3A_75 = arith.constant 0 : i32
    %dma_start3A_76 = tpu.memref_slice %arg6[%dma_start3A_73, %dma_start3A_74, %dma_start3A_75] : memref<26x128x16xf32, #tpu.memory_space<vmem>> -> memref<1x128x16xf32, #tpu.memory_space<vmem>>
    %dma_start3A_77 = tpu.memref_squeeze %dma_start3A_76 : memref<1x128x16xf32, #tpu.memory_space<vmem>> -> memref<128x16xf32, #tpu.memory_space<vmem>>
    %dma_start3A_78 = arith.constant 0 : i32
    %dma_start3A_79 = tpu.memref_slice %arg5[%dma_start3A_72, %dma_start3A_78] : memref<26x128xi32, #tpu.memory_space<vmem>> -> memref<1x128xi32, #tpu.memory_space<vmem>>
    %dma_start3A_80 = tpu.memref_squeeze %dma_start3A_79 : memref<1x128xi32, #tpu.memory_space<vmem>> -> memref<128xi32, #tpu.memory_space<vmem>>
    %dma_start3A_81 = arith.constant 0 : i32
    %dma_start3A_82 = arith.constant 0 : i32
    %dma_start3A_83 = tpu.memref_slice %arg2[%dma_start3A_81, %dma_start3A_82] : memref<401408x16xf32, #tpu.memory_space<hbm>> -> memref<401408x16xf32, #tpu.memory_space<hbm>>
    tpu.enqueue_indirect_dma source(%dma_start3A_83 : memref<401408x16xf32, #tpu.memory_space<hbm>>) target(%dma_start3A_77 : memref<128x16xf32, #tpu.memory_space<vmem>>) offsets(%dma_start3A_80 : memref<128xi32, #tpu.memory_space<vmem>>) semaphore(%arg7 : memref<!tpu.dma_semaphore, #tpu.memory_space<semaphore_mem>>)
    %dma_start3A_84 = arith.constant 7 : i32
    %dma_start3A_85 = arith.constant 7 : i32
    %dma_start3A_86 = arith.constant 0 : i32
    %dma_start3A_87 = arith.constant 0 : i32
    %dma_start3A_88 = tpu.memref_slice %arg6[%dma_start3A_85, %dma_start3A_86, %dma_start3A_87] : memref<26x128x16xf32, #tpu.memory_space<vmem>> -> memref<1x128x16xf32, #tpu.memory_space<vmem>>
    %dma_start3A_89 = tpu.memref_squeeze %dma_start3A_88 : memref<1x128x16xf32, #tpu.memory_space<vmem>> -> memref<128x16xf32, #tpu.memory_space<vmem>>
    %dma_start3A_90 = arith.constant 0 : i32
    %dma_start3A_91 = tpu.memref_slice %arg5[%dma_start3A_84, %dma_start3A_90] : memref<26x128xi32, #tpu.memory_space<vmem>> -> memref<1x128xi32, #tpu.memory_space<vmem>>
    %dma_start3A_92 = tpu.memref_squeeze %dma_start3A_91 : memref<1x128xi32, #tpu.memory_space<vmem>> -> memref<128xi32, #tpu.memory_space<vmem>>
    %dma_start3A_93 = arith.constant 0 : i32
    %dma_start3A_94 = arith.constant 0 : i32
    %dma_start3A_95 = tpu.memref_slice %arg2[%dma_start3A_93, %dma_start3A_94] : memref<401408x16xf32, #tpu.memory_space<hbm>> -> memref<401408x16xf32, #tpu.memory_space<hbm>>
    tpu.enqueue_indirect_dma source(%dma_start3A_95 : memref<401408x16xf32, #tpu.memory_space<hbm>>) target(%dma_start3A_89 : memref<128x16xf32, #tpu.memory_space<vmem>>) offsets(%dma_start3A_92 : memref<128xi32, #tpu.memory_space<vmem>>) semaphore(%arg7 : memref<!tpu.dma_semaphore, #tpu.memory_space<semaphore_mem>>)
    %dma_start3A_96 = arith.constant 8 : i32
    %dma_start3A_97 = arith.constant 8 : i32
    %dma_start3A_98 = arith.constant 0 : i32
    %dma_start3A_99 = arith.constant 0 : i32
    %dma_start3A_100 = tpu.memref_slice %arg6[%dma_start3A_97, %dma_start3A_98, %dma_start3A_99] : memref<26x128x16xf32, #tpu.memory_space<vmem>> -> memref<1x128x16xf32, #tpu.memory_space<vmem>>
    %dma_start3A_101 = tpu.memref_squeeze %dma_start3A_100 : memref<1x128x16xf32, #tpu.memory_space<vmem>> -> memref<128x16xf32, #tpu.memory_space<vmem>>
    %dma_start3A_102 = arith.constant 0 : i32
    %dma_start3A_103 = tpu.memref_slice %arg5[%dma_start3A_96, %dma_start3A_102] : memref<26x128xi32, #tpu.memory_space<vmem>> -> memref<1x128xi32, #tpu.memory_space<vmem>>
    %dma_start3A_104 = tpu.memref_squeeze %dma_start3A_103 : memref<1x128xi32, #tpu.memory_space<vmem>> -> memref<128xi32, #tpu.memory_space<vmem>>
    %dma_start3A_105 = arith.constant 0 : i32
    %dma_start3A_106 = arith.constant 0 : i32
    %dma_start3A_107 = tpu.memref_slice %arg2[%dma_start3A_105, %dma_start3A_106] : memref<401408x16xf32, #tpu.memory_space<hbm>> -> memref<401408x16xf32, #tpu.memory_space<hbm>>
    tpu.enqueue_indirect_dma source(%dma_start3A_107 : memref<401408x16xf32, #tpu.memory_space<hbm>>) target(%dma_start3A_101 : memref<128x16xf32, #tpu.memory_space<vmem>>) offsets(%dma_start3A_104 : memref<128xi32, #tpu.memory_space<vmem>>) semaphore(%arg7 : memref<!tpu.dma_semaphore, #tpu.memory_space<semaphore_mem>>)
    %dma_start3A_108 = arith.constant 9 : i32
    %dma_start3A_109 = arith.constant 9 : i32
    %dma_start3A_110 = arith.constant 0 : i32
    %dma_start3A_111 = arith.constant 0 : i32
    %dma_start3A_112 = tpu.memref_slice %arg6[%dma_start3A_109, %dma_start3A_110, %dma_start3A_111] : memref<26x128x16xf32, #tpu.memory_space<vmem>> -> memref<1x128x16xf32, #tpu.memory_space<vmem>>
    %dma_start3A_113 = tpu.memref_squeeze %dma_start3A_112 : memref<1x128x16xf32, #tpu.memory_space<vmem>> -> memref<128x16xf32, #tpu.memory_space<vmem>>
    %dma_start3A_114 = arith.constant 0 : i32
    %dma_start3A_115 = tpu.memref_slice %arg5[%dma_start3A_108, %dma_start3A_114] : memref<26x128xi32, #tpu.memory_space<vmem>> -> memref<1x128xi32, #tpu.memory_space<vmem>>
    %dma_start3A_116 = tpu.memref_squeeze %dma_start3A_115 : memref<1x128xi32, #tpu.memory_space<vmem>> -> memref<128xi32, #tpu.memory_space<vmem>>
    %dma_start3A_117 = arith.constant 0 : i32
    %dma_start3A_118 = arith.constant 0 : i32
    %dma_start3A_119 = tpu.memref_slice %arg2[%dma_start3A_117, %dma_start3A_118] : memref<401408x16xf32, #tpu.memory_space<hbm>> -> memref<401408x16xf32, #tpu.memory_space<hbm>>
    tpu.enqueue_indirect_dma source(%dma_start3A_119 : memref<401408x16xf32, #tpu.memory_space<hbm>>) target(%dma_start3A_113 : memref<128x16xf32, #tpu.memory_space<vmem>>) offsets(%dma_start3A_116 : memref<128xi32, #tpu.memory_space<vmem>>) semaphore(%arg7 : memref<!tpu.dma_semaphore, #tpu.memory_space<semaphore_mem>>)
    %dma_start3A_120 = arith.constant 10 : i32
    %dma_start3A_121 = arith.constant 10 : i32
    %dma_start3A_122 = arith.constant 0 : i32
    %dma_start3A_123 = arith.constant 0 : i32
    %dma_start3A_124 = tpu.memref_slice %arg6[%dma_start3A_121, %dma_start3A_122, %dma_start3A_123] : memref<26x128x16xf32, #tpu.memory_space<vmem>> -> memref<1x128x16xf32, #tpu.memory_space<vmem>>
    %dma_start3A_125 = tpu.memref_squeeze %dma_start3A_124 : memref<1x128x16xf32, #tpu.memory_space<vmem>> -> memref<128x16xf32, #tpu.memory_space<vmem>>
    %dma_start3A_126 = arith.constant 0 : i32
    %dma_start3A_127 = tpu.memref_slice %arg5[%dma_start3A_120, %dma_start3A_126] : memref<26x128xi32, #tpu.memory_space<vmem>> -> memref<1x128xi32, #tpu.memory_space<vmem>>
    %dma_start3A_128 = tpu.memref_squeeze %dma_start3A_127 : memref<1x128xi32, #tpu.memory_space<vmem>> -> memref<128xi32, #tpu.memory_space<vmem>>
    %dma_start3A_129 = arith.constant 0 : i32
    %dma_start3A_130 = arith.constant 0 : i32
    %dma_start3A_131 = tpu.memref_slice %arg2[%dma_start3A_129, %dma_start3A_130] : memref<401408x16xf32, #tpu.memory_space<hbm>> -> memref<401408x16xf32, #tpu.memory_space<hbm>>
    tpu.enqueue_indirect_dma source(%dma_start3A_131 : memref<401408x16xf32, #tpu.memory_space<hbm>>) target(%dma_start3A_125 : memref<128x16xf32, #tpu.memory_space<vmem>>) offsets(%dma_start3A_128 : memref<128xi32, #tpu.memory_space<vmem>>) semaphore(%arg7 : memref<!tpu.dma_semaphore, #tpu.memory_space<semaphore_mem>>)
    %dma_start3A_132 = arith.constant 11 : i32
    %dma_start3A_133 = arith.constant 11 : i32
    %dma_start3A_134 = arith.constant 0 : i32
    %dma_start3A_135 = arith.constant 0 : i32
    %dma_start3A_136 = tpu.memref_slice %arg6[%dma_start3A_133, %dma_start3A_134, %dma_start3A_135] : memref<26x128x16xf32, #tpu.memory_space<vmem>> -> memref<1x128x16xf32, #tpu.memory_space<vmem>>
    %dma_start3A_137 = tpu.memref_squeeze %dma_start3A_136 : memref<1x128x16xf32, #tpu.memory_space<vmem>> -> memref<128x16xf32, #tpu.memory_space<vmem>>
    %dma_start3A_138 = arith.constant 0 : i32
    %dma_start3A_139 = tpu.memref_slice %arg5[%dma_start3A_132, %dma_start3A_138] : memref<26x128xi32, #tpu.memory_space<vmem>> -> memref<1x128xi32, #tpu.memory_space<vmem>>
    %dma_start3A_140 = tpu.memref_squeeze %dma_start3A_139 : memref<1x128xi32, #tpu.memory_space<vmem>> -> memref<128xi32, #tpu.memory_space<vmem>>
    %dma_start3A_141 = arith.constant 0 : i32
    %dma_start3A_142 = arith.constant 0 : i32
    %dma_start3A_143 = tpu.memref_slice %arg2[%dma_start3A_141, %dma_start3A_142] : memref<401408x16xf32, #tpu.memory_space<hbm>> -> memref<401408x16xf32, #tpu.memory_space<hbm>>
    tpu.enqueue_indirect_dma source(%dma_start3A_143 : memref<401408x16xf32, #tpu.memory_space<hbm>>) target(%dma_start3A_137 : memref<128x16xf32, #tpu.memory_space<vmem>>) offsets(%dma_start3A_140 : memref<128xi32, #tpu.memory_space<vmem>>) semaphore(%arg7 : memref<!tpu.dma_semaphore, #tpu.memory_space<semaphore_mem>>)
    %dma_start3A_144 = arith.constant 12 : i32
    %dma_start3A_145 = arith.constant 12 : i32
    %dma_start3A_146 = arith.constant 0 : i32
    %dma_start3A_147 = arith.constant 0 : i32
    %dma_start3A_148 = tpu.memref_slice %arg6[%dma_start3A_145, %dma_start3A_146, %dma_start3A_147] : memref<26x128x16xf32, #tpu.memory_space<vmem>> -> memref<1x128x16xf32, #tpu.memory_space<vmem>>
    %dma_start3A_149 = tpu.memref_squeeze %dma_start3A_148 : memref<1x128x16xf32, #tpu.memory_space<vmem>> -> memref<128x16xf32, #tpu.memory_space<vmem>>
    %dma_start3A_150 = arith.constant 0 : i32
    %dma_start3A_151 = tpu.memref_slice %arg5[%dma_start3A_144, %dma_start3A_150] : memref<26x128xi32, #tpu.memory_space<vmem>> -> memref<1x128xi32, #tpu.memory_space<vmem>>
    %dma_start3A_152 = tpu.memref_squeeze %dma_start3A_151 : memref<1x128xi32, #tpu.memory_space<vmem>> -> memref<128xi32, #tpu.memory_space<vmem>>
    %dma_start3A_153 = arith.constant 0 : i32
    %dma_start3A_154 = arith.constant 0 : i32
    %dma_start3A_155 = tpu.memref_slice %arg2[%dma_start3A_153, %dma_start3A_154] : memref<401408x16xf32, #tpu.memory_space<hbm>> -> memref<401408x16xf32, #tpu.memory_space<hbm>>
    tpu.enqueue_indirect_dma source(%dma_start3A_155 : memref<401408x16xf32, #tpu.memory_space<hbm>>) target(%dma_start3A_149 : memref<128x16xf32, #tpu.memory_space<vmem>>) offsets(%dma_start3A_152 : memref<128xi32, #tpu.memory_space<vmem>>) semaphore(%arg7 : memref<!tpu.dma_semaphore, #tpu.memory_space<semaphore_mem>>)
    %dma_wait3A = arith.constant 0 : i32
    %dma_wait3A_156 = arith.constant 0 : i32
    %dma_wait3A_157 = arith.constant 0 : i32
    %dma_wait3A_158 = arith.constant 0 : i32
    %dma_wait3A_159 = tpu.memref_slice %arg6[%dma_wait3A_156, %dma_wait3A_157, %dma_wait3A_158] : memref<26x128x16xf32, #tpu.memory_space<vmem>> -> memref<1x128x16xf32, #tpu.memory_space<vmem>>
    %dma_wait3A_160 = tpu.memref_squeeze %dma_wait3A_159 : memref<1x128x16xf32, #tpu.memory_space<vmem>> -> memref<128x16xf32, #tpu.memory_space<vmem>>
    %dma_wait3A_161 = arith.constant 0 : i32
    %dma_wait3A_162 = tpu.memref_slice %arg5[%dma_wait3A, %dma_wait3A_161] : memref<26x128xi32, #tpu.memory_space<vmem>> -> memref<1x128xi32, #tpu.memory_space<vmem>>
    %dma_wait3A_163 = tpu.memref_squeeze %dma_wait3A_162 : memref<1x128xi32, #tpu.memory_space<vmem>> -> memref<128xi32, #tpu.memory_space<vmem>>
    %dma_wait3A_164 = arith.constant 0 : i32
    %dma_wait3A_165 = arith.constant 0 : i32
    %dma_wait3A_166 = tpu.memref_slice %arg2[%dma_wait3A_164, %dma_wait3A_165] : memref<401408x16xf32, #tpu.memory_space<hbm>> -> memref<401408x16xf32, #tpu.memory_space<hbm>>
    tpu.wait_indirect_dma semaphore(%arg7 : memref<!tpu.dma_semaphore, #tpu.memory_space<semaphore_mem>>) src(%dma_wait3A_166 : memref<401408x16xf32, #tpu.memory_space<hbm>>) dst(%dma_wait3A_160 : memref<128x16xf32, #tpu.memory_space<vmem>>)
    %dma_wait3A_167 = arith.constant 1 : i32
    %dma_wait3A_168 = arith.constant 1 : i32
    %dma_wait3A_169 = arith.constant 0 : i32
    %dma_wait3A_170 = arith.constant 0 : i32
    %dma_wait3A_171 = tpu.memref_slice %arg6[%dma_wait3A_168, %dma_wait3A_169, %dma_wait3A_170] : memref<26x128x16xf32, #tpu.memory_space<vmem>> -> memref<1x128x16xf32, #tpu.memory_space<vmem>>
    %dma_wait3A_172 = tpu.memref_squeeze %dma_wait3A_171 : memref<1x128x16xf32, #tpu.memory_space<vmem>> -> memref<128x16xf32, #tpu.memory_space<vmem>>
    %dma_wait3A_173 = arith.constant 0 : i32
    %dma_wait3A_174 = tpu.memref_slice %arg5[%dma_wait3A_167, %dma_wait3A_173] : memref<26x128xi32, #tpu.memory_space<vmem>> -> memref<1x128xi32, #tpu.memory_space<vmem>>
    %dma_wait3A_175 = tpu.memref_squeeze %dma_wait3A_174 : memref<1x128xi32, #tpu.memory_space<vmem>> -> memref<128xi32, #tpu.memory_space<vmem>>
    %dma_wait3A_176 = arith.constant 0 : i32
    %dma_wait3A_177 = arith.constant 0 : i32
    %dma_wait3A_178 = tpu.memref_slice %arg2[%dma_wait3A_176, %dma_wait3A_177] : memref<401408x16xf32, #tpu.memory_space<hbm>> -> memref<401408x16xf32, #tpu.memory_space<hbm>>
    tpu.wait_indirect_dma semaphore(%arg7 : memref<!tpu.dma_semaphore, #tpu.memory_space<semaphore_mem>>) src(%dma_wait3A_178 : memref<401408x16xf32, #tpu.memory_space<hbm>>) dst(%dma_wait3A_172 : memref<128x16xf32, #tpu.memory_space<vmem>>)
    %dma_wait3A_179 = arith.constant 2 : i32
    %dma_wait3A_180 = arith.constant 2 : i32
    %dma_wait3A_181 = arith.constant 0 : i32
    %dma_wait3A_182 = arith.constant 0 : i32
    %dma_wait3A_183 = tpu.memref_slice %arg6[%dma_wait3A_180, %dma_wait3A_181, %dma_wait3A_182] : memref<26x128x16xf32, #tpu.memory_space<vmem>> -> memref<1x128x16xf32, #tpu.memory_space<vmem>>
    %dma_wait3A_184 = tpu.memref_squeeze %dma_wait3A_183 : memref<1x128x16xf32, #tpu.memory_space<vmem>> -> memref<128x16xf32, #tpu.memory_space<vmem>>
    %dma_wait3A_185 = arith.constant 0 : i32
    %dma_wait3A_186 = tpu.memref_slice %arg5[%dma_wait3A_179, %dma_wait3A_185] : memref<26x128xi32, #tpu.memory_space<vmem>> -> memref<1x128xi32, #tpu.memory_space<vmem>>
    %dma_wait3A_187 = tpu.memref_squeeze %dma_wait3A_186 : memref<1x128xi32, #tpu.memory_space<vmem>> -> memref<128xi32, #tpu.memory_space<vmem>>
    %dma_wait3A_188 = arith.constant 0 : i32
    %dma_wait3A_189 = arith.constant 0 : i32
    %dma_wait3A_190 = tpu.memref_slice %arg2[%dma_wait3A_188, %dma_wait3A_189] : memref<401408x16xf32, #tpu.memory_space<hbm>> -> memref<401408x16xf32, #tpu.memory_space<hbm>>
    tpu.wait_indirect_dma semaphore(%arg7 : memref<!tpu.dma_semaphore, #tpu.memory_space<semaphore_mem>>) src(%dma_wait3A_190 : memref<401408x16xf32, #tpu.memory_space<hbm>>) dst(%dma_wait3A_184 : memref<128x16xf32, #tpu.memory_space<vmem>>)
    %dma_wait3A_191 = arith.constant 3 : i32
    %dma_wait3A_192 = arith.constant 3 : i32
    %dma_wait3A_193 = arith.constant 0 : i32
    %dma_wait3A_194 = arith.constant 0 : i32
    %dma_wait3A_195 = tpu.memref_slice %arg6[%dma_wait3A_192, %dma_wait3A_193, %dma_wait3A_194] : memref<26x128x16xf32, #tpu.memory_space<vmem>> -> memref<1x128x16xf32, #tpu.memory_space<vmem>>
    %dma_wait3A_196 = tpu.memref_squeeze %dma_wait3A_195 : memref<1x128x16xf32, #tpu.memory_space<vmem>> -> memref<128x16xf32, #tpu.memory_space<vmem>>
    %dma_wait3A_197 = arith.constant 0 : i32
    %dma_wait3A_198 = tpu.memref_slice %arg5[%dma_wait3A_191, %dma_wait3A_197] : memref<26x128xi32, #tpu.memory_space<vmem>> -> memref<1x128xi32, #tpu.memory_space<vmem>>
    %dma_wait3A_199 = tpu.memref_squeeze %dma_wait3A_198 : memref<1x128xi32, #tpu.memory_space<vmem>> -> memref<128xi32, #tpu.memory_space<vmem>>
    %dma_wait3A_200 = arith.constant 0 : i32
    %dma_wait3A_201 = arith.constant 0 : i32
    %dma_wait3A_202 = tpu.memref_slice %arg2[%dma_wait3A_200, %dma_wait3A_201] : memref<401408x16xf32, #tpu.memory_space<hbm>> -> memref<401408x16xf32, #tpu.memory_space<hbm>>
    tpu.wait_indirect_dma semaphore(%arg7 : memref<!tpu.dma_semaphore, #tpu.memory_space<semaphore_mem>>) src(%dma_wait3A_202 : memref<401408x16xf32, #tpu.memory_space<hbm>>) dst(%dma_wait3A_196 : memref<128x16xf32, #tpu.memory_space<vmem>>)
    %dma_wait3A_203 = arith.constant 4 : i32
    %dma_wait3A_204 = arith.constant 4 : i32
    %dma_wait3A_205 = arith.constant 0 : i32
    %dma_wait3A_206 = arith.constant 0 : i32
    %dma_wait3A_207 = tpu.memref_slice %arg6[%dma_wait3A_204, %dma_wait3A_205, %dma_wait3A_206] : memref<26x128x16xf32, #tpu.memory_space<vmem>> -> memref<1x128x16xf32, #tpu.memory_space<vmem>>
    %dma_wait3A_208 = tpu.memref_squeeze %dma_wait3A_207 : memref<1x128x16xf32, #tpu.memory_space<vmem>> -> memref<128x16xf32, #tpu.memory_space<vmem>>
    %dma_wait3A_209 = arith.constant 0 : i32
    %dma_wait3A_210 = tpu.memref_slice %arg5[%dma_wait3A_203, %dma_wait3A_209] : memref<26x128xi32, #tpu.memory_space<vmem>> -> memref<1x128xi32, #tpu.memory_space<vmem>>
    %dma_wait3A_211 = tpu.memref_squeeze %dma_wait3A_210 : memref<1x128xi32, #tpu.memory_space<vmem>> -> memref<128xi32, #tpu.memory_space<vmem>>
    %dma_wait3A_212 = arith.constant 0 : i32
    %dma_wait3A_213 = arith.constant 0 : i32
    %dma_wait3A_214 = tpu.memref_slice %arg2[%dma_wait3A_212, %dma_wait3A_213] : memref<401408x16xf32, #tpu.memory_space<hbm>> -> memref<401408x16xf32, #tpu.memory_space<hbm>>
    tpu.wait_indirect_dma semaphore(%arg7 : memref<!tpu.dma_semaphore, #tpu.memory_space<semaphore_mem>>) src(%dma_wait3A_214 : memref<401408x16xf32, #tpu.memory_space<hbm>>) dst(%dma_wait3A_208 : memref<128x16xf32, #tpu.memory_space<vmem>>)
    %dma_wait3A_215 = arith.constant 5 : i32
    %dma_wait3A_216 = arith.constant 5 : i32
    %dma_wait3A_217 = arith.constant 0 : i32
    %dma_wait3A_218 = arith.constant 0 : i32
    %dma_wait3A_219 = tpu.memref_slice %arg6[%dma_wait3A_216, %dma_wait3A_217, %dma_wait3A_218] : memref<26x128x16xf32, #tpu.memory_space<vmem>> -> memref<1x128x16xf32, #tpu.memory_space<vmem>>
    %dma_wait3A_220 = tpu.memref_squeeze %dma_wait3A_219 : memref<1x128x16xf32, #tpu.memory_space<vmem>> -> memref<128x16xf32, #tpu.memory_space<vmem>>
    %dma_wait3A_221 = arith.constant 0 : i32
    %dma_wait3A_222 = tpu.memref_slice %arg5[%dma_wait3A_215, %dma_wait3A_221] : memref<26x128xi32, #tpu.memory_space<vmem>> -> memref<1x128xi32, #tpu.memory_space<vmem>>
    %dma_wait3A_223 = tpu.memref_squeeze %dma_wait3A_222 : memref<1x128xi32, #tpu.memory_space<vmem>> -> memref<128xi32, #tpu.memory_space<vmem>>
    %dma_wait3A_224 = arith.constant 0 : i32
    %dma_wait3A_225 = arith.constant 0 : i32
    %dma_wait3A_226 = tpu.memref_slice %arg2[%dma_wait3A_224, %dma_wait3A_225] : memref<401408x16xf32, #tpu.memory_space<hbm>> -> memref<401408x16xf32, #tpu.memory_space<hbm>>
    tpu.wait_indirect_dma semaphore(%arg7 : memref<!tpu.dma_semaphore, #tpu.memory_space<semaphore_mem>>) src(%dma_wait3A_226 : memref<401408x16xf32, #tpu.memory_space<hbm>>) dst(%dma_wait3A_220 : memref<128x16xf32, #tpu.memory_space<vmem>>)
    %dma_wait3A_227 = arith.constant 6 : i32
    %dma_wait3A_228 = arith.constant 6 : i32
    %dma_wait3A_229 = arith.constant 0 : i32
    %dma_wait3A_230 = arith.constant 0 : i32
    %dma_wait3A_231 = tpu.memref_slice %arg6[%dma_wait3A_228, %dma_wait3A_229, %dma_wait3A_230] : memref<26x128x16xf32, #tpu.memory_space<vmem>> -> memref<1x128x16xf32, #tpu.memory_space<vmem>>
    %dma_wait3A_232 = tpu.memref_squeeze %dma_wait3A_231 : memref<1x128x16xf32, #tpu.memory_space<vmem>> -> memref<128x16xf32, #tpu.memory_space<vmem>>
    %dma_wait3A_233 = arith.constant 0 : i32
    %dma_wait3A_234 = tpu.memref_slice %arg5[%dma_wait3A_227, %dma_wait3A_233] : memref<26x128xi32, #tpu.memory_space<vmem>> -> memref<1x128xi32, #tpu.memory_space<vmem>>
    %dma_wait3A_235 = tpu.memref_squeeze %dma_wait3A_234 : memref<1x128xi32, #tpu.memory_space<vmem>> -> memref<128xi32, #tpu.memory_space<vmem>>
    %dma_wait3A_236 = arith.constant 0 : i32
    %dma_wait3A_237 = arith.constant 0 : i32
    %dma_wait3A_238 = tpu.memref_slice %arg2[%dma_wait3A_236, %dma_wait3A_237] : memref<401408x16xf32, #tpu.memory_space<hbm>> -> memref<401408x16xf32, #tpu.memory_space<hbm>>
    tpu.wait_indirect_dma semaphore(%arg7 : memref<!tpu.dma_semaphore, #tpu.memory_space<semaphore_mem>>) src(%dma_wait3A_238 : memref<401408x16xf32, #tpu.memory_space<hbm>>) dst(%dma_wait3A_232 : memref<128x16xf32, #tpu.memory_space<vmem>>)
    %dma_wait3A_239 = arith.constant 7 : i32
    %dma_wait3A_240 = arith.constant 7 : i32
    %dma_wait3A_241 = arith.constant 0 : i32
    %dma_wait3A_242 = arith.constant 0 : i32
    %dma_wait3A_243 = tpu.memref_slice %arg6[%dma_wait3A_240, %dma_wait3A_241, %dma_wait3A_242] : memref<26x128x16xf32, #tpu.memory_space<vmem>> -> memref<1x128x16xf32, #tpu.memory_space<vmem>>
    %dma_wait3A_244 = tpu.memref_squeeze %dma_wait3A_243 : memref<1x128x16xf32, #tpu.memory_space<vmem>> -> memref<128x16xf32, #tpu.memory_space<vmem>>
    %dma_wait3A_245 = arith.constant 0 : i32
    %dma_wait3A_246 = tpu.memref_slice %arg5[%dma_wait3A_239, %dma_wait3A_245] : memref<26x128xi32, #tpu.memory_space<vmem>> -> memref<1x128xi32, #tpu.memory_space<vmem>>
    %dma_wait3A_247 = tpu.memref_squeeze %dma_wait3A_246 : memref<1x128xi32, #tpu.memory_space<vmem>> -> memref<128xi32, #tpu.memory_space<vmem>>
    %dma_wait3A_248 = arith.constant 0 : i32
    %dma_wait3A_249 = arith.constant 0 : i32
    %dma_wait3A_250 = tpu.memref_slice %arg2[%dma_wait3A_248, %dma_wait3A_249] : memref<401408x16xf32, #tpu.memory_space<hbm>> -> memref<401408x16xf32, #tpu.memory_space<hbm>>
    tpu.wait_indirect_dma semaphore(%arg7 : memref<!tpu.dma_semaphore, #tpu.memory_space<semaphore_mem>>) src(%dma_wait3A_250 : memref<401408x16xf32, #tpu.memory_space<hbm>>) dst(%dma_wait3A_244 : memref<128x16xf32, #tpu.memory_space<vmem>>)
    %dma_wait3A_251 = arith.constant 8 : i32
    %dma_wait3A_252 = arith.constant 8 : i32
    %dma_wait3A_253 = arith.constant 0 : i32
    %dma_wait3A_254 = arith.constant 0 : i32
    %dma_wait3A_255 = tpu.memref_slice %arg6[%dma_wait3A_252, %dma_wait3A_253, %dma_wait3A_254] : memref<26x128x16xf32, #tpu.memory_space<vmem>> -> memref<1x128x16xf32, #tpu.memory_space<vmem>>
    %dma_wait3A_256 = tpu.memref_squeeze %dma_wait3A_255 : memref<1x128x16xf32, #tpu.memory_space<vmem>> -> memref<128x16xf32, #tpu.memory_space<vmem>>
    %dma_wait3A_257 = arith.constant 0 : i32
    %dma_wait3A_258 = tpu.memref_slice %arg5[%dma_wait3A_251, %dma_wait3A_257] : memref<26x128xi32, #tpu.memory_space<vmem>> -> memref<1x128xi32, #tpu.memory_space<vmem>>
    %dma_wait3A_259 = tpu.memref_squeeze %dma_wait3A_258 : memref<1x128xi32, #tpu.memory_space<vmem>> -> memref<128xi32, #tpu.memory_space<vmem>>
    %dma_wait3A_260 = arith.constant 0 : i32
    %dma_wait3A_261 = arith.constant 0 : i32
    %dma_wait3A_262 = tpu.memref_slice %arg2[%dma_wait3A_260, %dma_wait3A_261] : memref<401408x16xf32, #tpu.memory_space<hbm>> -> memref<401408x16xf32, #tpu.memory_space<hbm>>
    tpu.wait_indirect_dma semaphore(%arg7 : memref<!tpu.dma_semaphore, #tpu.memory_space<semaphore_mem>>) src(%dma_wait3A_262 : memref<401408x16xf32, #tpu.memory_space<hbm>>) dst(%dma_wait3A_256 : memref<128x16xf32, #tpu.memory_space<vmem>>)
    %dma_wait3A_263 = arith.constant 9 : i32
    %dma_wait3A_264 = arith.constant 9 : i32
    %dma_wait3A_265 = arith.constant 0 : i32
    %dma_wait3A_266 = arith.constant 0 : i32
    %dma_wait3A_267 = tpu.memref_slice %arg6[%dma_wait3A_264, %dma_wait3A_265, %dma_wait3A_266] : memref<26x128x16xf32, #tpu.memory_space<vmem>> -> memref<1x128x16xf32, #tpu.memory_space<vmem>>
    %dma_wait3A_268 = tpu.memref_squeeze %dma_wait3A_267 : memref<1x128x16xf32, #tpu.memory_space<vmem>> -> memref<128x16xf32, #tpu.memory_space<vmem>>
    %dma_wait3A_269 = arith.constant 0 : i32
    %dma_wait3A_270 = tpu.memref_slice %arg5[%dma_wait3A_263, %dma_wait3A_269] : memref<26x128xi32, #tpu.memory_space<vmem>> -> memref<1x128xi32, #tpu.memory_space<vmem>>
    %dma_wait3A_271 = tpu.memref_squeeze %dma_wait3A_270 : memref<1x128xi32, #tpu.memory_space<vmem>> -> memref<128xi32, #tpu.memory_space<vmem>>
    %dma_wait3A_272 = arith.constant 0 : i32
    %dma_wait3A_273 = arith.constant 0 : i32
    %dma_wait3A_274 = tpu.memref_slice %arg2[%dma_wait3A_272, %dma_wait3A_273] : memref<401408x16xf32, #tpu.memory_space<hbm>> -> memref<401408x16xf32, #tpu.memory_space<hbm>>
    tpu.wait_indirect_dma semaphore(%arg7 : memref<!tpu.dma_semaphore, #tpu.memory_space<semaphore_mem>>) src(%dma_wait3A_274 : memref<401408x16xf32, #tpu.memory_space<hbm>>) dst(%dma_wait3A_268 : memref<128x16xf32, #tpu.memory_space<vmem>>)
    %dma_wait3A_275 = arith.constant 10 : i32
    %dma_wait3A_276 = arith.constant 10 : i32
    %dma_wait3A_277 = arith.constant 0 : i32
    %dma_wait3A_278 = arith.constant 0 : i32
    %dma_wait3A_279 = tpu.memref_slice %arg6[%dma_wait3A_276, %dma_wait3A_277, %dma_wait3A_278] : memref<26x128x16xf32, #tpu.memory_space<vmem>> -> memref<1x128x16xf32, #tpu.memory_space<vmem>>
    %dma_wait3A_280 = tpu.memref_squeeze %dma_wait3A_279 : memref<1x128x16xf32, #tpu.memory_space<vmem>> -> memref<128x16xf32, #tpu.memory_space<vmem>>
    %dma_wait3A_281 = arith.constant 0 : i32
    %dma_wait3A_282 = tpu.memref_slice %arg5[%dma_wait3A_275, %dma_wait3A_281] : memref<26x128xi32, #tpu.memory_space<vmem>> -> memref<1x128xi32, #tpu.memory_space<vmem>>
    %dma_wait3A_283 = tpu.memref_squeeze %dma_wait3A_282 : memref<1x128xi32, #tpu.memory_space<vmem>> -> memref<128xi32, #tpu.memory_space<vmem>>
    %dma_wait3A_284 = arith.constant 0 : i32
    %dma_wait3A_285 = arith.constant 0 : i32
    %dma_wait3A_286 = tpu.memref_slice %arg2[%dma_wait3A_284, %dma_wait3A_285] : memref<401408x16xf32, #tpu.memory_space<hbm>> -> memref<401408x16xf32, #tpu.memory_space<hbm>>
    tpu.wait_indirect_dma semaphore(%arg7 : memref<!tpu.dma_semaphore, #tpu.memory_space<semaphore_mem>>) src(%dma_wait3A_286 : memref<401408x16xf32, #tpu.memory_space<hbm>>) dst(%dma_wait3A_280 : memref<128x16xf32, #tpu.memory_space<vmem>>)
    %dma_wait3A_287 = arith.constant 11 : i32
    %dma_wait3A_288 = arith.constant 11 : i32
    %dma_wait3A_289 = arith.constant 0 : i32
    %dma_wait3A_290 = arith.constant 0 : i32
    %dma_wait3A_291 = tpu.memref_slice %arg6[%dma_wait3A_288, %dma_wait3A_289, %dma_wait3A_290] : memref<26x128x16xf32, #tpu.memory_space<vmem>> -> memref<1x128x16xf32, #tpu.memory_space<vmem>>
    %dma_wait3A_292 = tpu.memref_squeeze %dma_wait3A_291 : memref<1x128x16xf32, #tpu.memory_space<vmem>> -> memref<128x16xf32, #tpu.memory_space<vmem>>
    %dma_wait3A_293 = arith.constant 0 : i32
    %dma_wait3A_294 = tpu.memref_slice %arg5[%dma_wait3A_287, %dma_wait3A_293] : memref<26x128xi32, #tpu.memory_space<vmem>> -> memref<1x128xi32, #tpu.memory_space<vmem>>
    %dma_wait3A_295 = tpu.memref_squeeze %dma_wait3A_294 : memref<1x128xi32, #tpu.memory_space<vmem>> -> memref<128xi32, #tpu.memory_space<vmem>>
    %dma_wait3A_296 = arith.constant 0 : i32
    %dma_wait3A_297 = arith.constant 0 : i32
    %dma_wait3A_298 = tpu.memref_slice %arg2[%dma_wait3A_296, %dma_wait3A_297] : memref<401408x16xf32, #tpu.memory_space<hbm>> -> memref<401408x16xf32, #tpu.memory_space<hbm>>
    tpu.wait_indirect_dma semaphore(%arg7 : memref<!tpu.dma_semaphore, #tpu.memory_space<semaphore_mem>>) src(%dma_wait3A_298 : memref<401408x16xf32, #tpu.memory_space<hbm>>) dst(%dma_wait3A_292 : memref<128x16xf32, #tpu.memory_space<vmem>>)
    %dma_wait3A_299 = arith.constant 12 : i32
    %dma_wait3A_300 = arith.constant 12 : i32
    %dma_wait3A_301 = arith.constant 0 : i32
    %dma_wait3A_302 = arith.constant 0 : i32
    %dma_wait3A_303 = tpu.memref_slice %arg6[%dma_wait3A_300, %dma_wait3A_301, %dma_wait3A_302] : memref<26x128x16xf32, #tpu.memory_space<vmem>> -> memref<1x128x16xf32, #tpu.memory_space<vmem>>
    %dma_wait3A_304 = tpu.memref_squeeze %dma_wait3A_303 : memref<1x128x16xf32, #tpu.memory_space<vmem>> -> memref<128x16xf32, #tpu.memory_space<vmem>>
    %dma_wait3A_305 = arith.constant 0 : i32
    %dma_wait3A_306 = tpu.memref_slice %arg5[%dma_wait3A_299, %dma_wait3A_305] : memref<26x128xi32, #tpu.memory_space<vmem>> -> memref<1x128xi32, #tpu.memory_space<vmem>>
    %dma_wait3A_307 = tpu.memref_squeeze %dma_wait3A_306 : memref<1x128xi32, #tpu.memory_space<vmem>> -> memref<128xi32, #tpu.memory_space<vmem>>
    %dma_wait3A_308 = arith.constant 0 : i32
    %dma_wait3A_309 = arith.constant 0 : i32
    %dma_wait3A_310 = tpu.memref_slice %arg2[%dma_wait3A_308, %dma_wait3A_309] : memref<401408x16xf32, #tpu.memory_space<hbm>> -> memref<401408x16xf32, #tpu.memory_space<hbm>>
    tpu.wait_indirect_dma semaphore(%arg7 : memref<!tpu.dma_semaphore, #tpu.memory_space<semaphore_mem>>) src(%dma_wait3A_310 : memref<401408x16xf32, #tpu.memory_space<hbm>>) dst(%dma_wait3A_304 : memref<128x16xf32, #tpu.memory_space<vmem>>)
    %dma_start3A_311 = arith.constant 13 : i32
    %dma_start3A_312 = arith.constant 13 : i32
    %dma_start3A_313 = arith.constant 0 : i32
    %dma_start3A_314 = arith.constant 0 : i32
    %dma_start3A_315 = tpu.memref_slice %arg6[%dma_start3A_312, %dma_start3A_313, %dma_start3A_314] : memref<26x128x16xf32, #tpu.memory_space<vmem>> -> memref<1x128x16xf32, #tpu.memory_space<vmem>>
    %dma_start3A_316 = tpu.memref_squeeze %dma_start3A_315 : memref<1x128x16xf32, #tpu.memory_space<vmem>> -> memref<128x16xf32, #tpu.memory_space<vmem>>
    %dma_start3A_317 = arith.constant 0 : i32
    %dma_start3A_318 = tpu.memref_slice %arg5[%dma_start3A_311, %dma_start3A_317] : memref<26x128xi32, #tpu.memory_space<vmem>> -> memref<1x128xi32, #tpu.memory_space<vmem>>
    %dma_start3A_319 = tpu.memref_squeeze %dma_start3A_318 : memref<1x128xi32, #tpu.memory_space<vmem>> -> memref<128xi32, #tpu.memory_space<vmem>>
    %dma_start3A_320 = arith.constant 0 : i32
    %dma_start3A_321 = arith.constant 0 : i32
    %dma_start3A_322 = tpu.memref_slice %arg2[%dma_start3A_320, %dma_start3A_321] : memref<401408x16xf32, #tpu.memory_space<hbm>> -> memref<401408x16xf32, #tpu.memory_space<hbm>>
    tpu.enqueue_indirect_dma source(%dma_start3A_322 : memref<401408x16xf32, #tpu.memory_space<hbm>>) target(%dma_start3A_316 : memref<128x16xf32, #tpu.memory_space<vmem>>) offsets(%dma_start3A_319 : memref<128xi32, #tpu.memory_space<vmem>>) semaphore(%arg7 : memref<!tpu.dma_semaphore, #tpu.memory_space<semaphore_mem>>)
    %dma_start3A_323 = arith.constant 14 : i32
    %dma_start3A_324 = arith.constant 14 : i32
    %dma_start3A_325 = arith.constant 0 : i32
    %dma_start3A_326 = arith.constant 0 : i32
    %dma_start3A_327 = tpu.memref_slice %arg6[%dma_start3A_324, %dma_start3A_325, %dma_start3A_326] : memref<26x128x16xf32, #tpu.memory_space<vmem>> -> memref<1x128x16xf32, #tpu.memory_space<vmem>>
    %dma_start3A_328 = tpu.memref_squeeze %dma_start3A_327 : memref<1x128x16xf32, #tpu.memory_space<vmem>> -> memref<128x16xf32, #tpu.memory_space<vmem>>
    %dma_start3A_329 = arith.constant 0 : i32
    %dma_start3A_330 = tpu.memref_slice %arg5[%dma_start3A_323, %dma_start3A_329] : memref<26x128xi32, #tpu.memory_space<vmem>> -> memref<1x128xi32, #tpu.memory_space<vmem>>
    %dma_start3A_331 = tpu.memref_squeeze %dma_start3A_330 : memref<1x128xi32, #tpu.memory_space<vmem>> -> memref<128xi32, #tpu.memory_space<vmem>>
    %dma_start3A_332 = arith.constant 0 : i32
    %dma_start3A_333 = arith.constant 0 : i32
    %dma_start3A_334 = tpu.memref_slice %arg2[%dma_start3A_332, %dma_start3A_333] : memref<401408x16xf32, #tpu.memory_space<hbm>> -> memref<401408x16xf32, #tpu.memory_space<hbm>>
    tpu.enqueue_indirect_dma source(%dma_start3A_334 : memref<401408x16xf32, #tpu.memory_space<hbm>>) target(%dma_start3A_328 : memref<128x16xf32, #tpu.memory_space<vmem>>) offsets(%dma_start3A_331 : memref<128xi32, #tpu.memory_space<vmem>>) semaphore(%arg7 : memref<!tpu.dma_semaphore, #tpu.memory_space<semaphore_mem>>)
    %dma_start3A_335 = arith.constant 15 : i32
    %dma_start3A_336 = arith.constant 15 : i32
    %dma_start3A_337 = arith.constant 0 : i32
    %dma_start3A_338 = arith.constant 0 : i32
    %dma_start3A_339 = tpu.memref_slice %arg6[%dma_start3A_336, %dma_start3A_337, %dma_start3A_338] : memref<26x128x16xf32, #tpu.memory_space<vmem>> -> memref<1x128x16xf32, #tpu.memory_space<vmem>>
    %dma_start3A_340 = tpu.memref_squeeze %dma_start3A_339 : memref<1x128x16xf32, #tpu.memory_space<vmem>> -> memref<128x16xf32, #tpu.memory_space<vmem>>
    %dma_start3A_341 = arith.constant 0 : i32
    %dma_start3A_342 = tpu.memref_slice %arg5[%dma_start3A_335, %dma_start3A_341] : memref<26x128xi32, #tpu.memory_space<vmem>> -> memref<1x128xi32, #tpu.memory_space<vmem>>
    %dma_start3A_343 = tpu.memref_squeeze %dma_start3A_342 : memref<1x128xi32, #tpu.memory_space<vmem>> -> memref<128xi32, #tpu.memory_space<vmem>>
    %dma_start3A_344 = arith.constant 0 : i32
    %dma_start3A_345 = arith.constant 0 : i32
    %dma_start3A_346 = tpu.memref_slice %arg2[%dma_start3A_344, %dma_start3A_345] : memref<401408x16xf32, #tpu.memory_space<hbm>> -> memref<401408x16xf32, #tpu.memory_space<hbm>>
    tpu.enqueue_indirect_dma source(%dma_start3A_346 : memref<401408x16xf32, #tpu.memory_space<hbm>>) target(%dma_start3A_340 : memref<128x16xf32, #tpu.memory_space<vmem>>) offsets(%dma_start3A_343 : memref<128xi32, #tpu.memory_space<vmem>>) semaphore(%arg7 : memref<!tpu.dma_semaphore, #tpu.memory_space<semaphore_mem>>)
    %dma_start3A_347 = arith.constant 16 : i32
    %dma_start3A_348 = arith.constant 16 : i32
    %dma_start3A_349 = arith.constant 0 : i32
    %dma_start3A_350 = arith.constant 0 : i32
    %dma_start3A_351 = tpu.memref_slice %arg6[%dma_start3A_348, %dma_start3A_349, %dma_start3A_350] : memref<26x128x16xf32, #tpu.memory_space<vmem>> -> memref<1x128x16xf32, #tpu.memory_space<vmem>>
    %dma_start3A_352 = tpu.memref_squeeze %dma_start3A_351 : memref<1x128x16xf32, #tpu.memory_space<vmem>> -> memref<128x16xf32, #tpu.memory_space<vmem>>
    %dma_start3A_353 = arith.constant 0 : i32
    %dma_start3A_354 = tpu.memref_slice %arg5[%dma_start3A_347, %dma_start3A_353] : memref<26x128xi32, #tpu.memory_space<vmem>> -> memref<1x128xi32, #tpu.memory_space<vmem>>
    %dma_start3A_355 = tpu.memref_squeeze %dma_start3A_354 : memref<1x128xi32, #tpu.memory_space<vmem>> -> memref<128xi32, #tpu.memory_space<vmem>>
    %dma_start3A_356 = arith.constant 0 : i32
    %dma_start3A_357 = arith.constant 0 : i32
    %dma_start3A_358 = tpu.memref_slice %arg2[%dma_start3A_356, %dma_start3A_357] : memref<401408x16xf32, #tpu.memory_space<hbm>> -> memref<401408x16xf32, #tpu.memory_space<hbm>>
    tpu.enqueue_indirect_dma source(%dma_start3A_358 : memref<401408x16xf32, #tpu.memory_space<hbm>>) target(%dma_start3A_352 : memref<128x16xf32, #tpu.memory_space<vmem>>) offsets(%dma_start3A_355 : memref<128xi32, #tpu.memory_space<vmem>>) semaphore(%arg7 : memref<!tpu.dma_semaphore, #tpu.memory_space<semaphore_mem>>)
    %dma_start3A_359 = arith.constant 17 : i32
    %dma_start3A_360 = arith.constant 17 : i32
    %dma_start3A_361 = arith.constant 0 : i32
    %dma_start3A_362 = arith.constant 0 : i32
    %dma_start3A_363 = tpu.memref_slice %arg6[%dma_start3A_360, %dma_start3A_361, %dma_start3A_362] : memref<26x128x16xf32, #tpu.memory_space<vmem>> -> memref<1x128x16xf32, #tpu.memory_space<vmem>>
    %dma_start3A_364 = tpu.memref_squeeze %dma_start3A_363 : memref<1x128x16xf32, #tpu.memory_space<vmem>> -> memref<128x16xf32, #tpu.memory_space<vmem>>
    %dma_start3A_365 = arith.constant 0 : i32
    %dma_start3A_366 = tpu.memref_slice %arg5[%dma_start3A_359, %dma_start3A_365] : memref<26x128xi32, #tpu.memory_space<vmem>> -> memref<1x128xi32, #tpu.memory_space<vmem>>
    %dma_start3A_367 = tpu.memref_squeeze %dma_start3A_366 : memref<1x128xi32, #tpu.memory_space<vmem>> -> memref<128xi32, #tpu.memory_space<vmem>>
    %dma_start3A_368 = arith.constant 0 : i32
    %dma_start3A_369 = arith.constant 0 : i32
    %dma_start3A_370 = tpu.memref_slice %arg2[%dma_start3A_368, %dma_start3A_369] : memref<401408x16xf32, #tpu.memory_space<hbm>> -> memref<401408x16xf32, #tpu.memory_space<hbm>>
    tpu.enqueue_indirect_dma source(%dma_start3A_370 : memref<401408x16xf32, #tpu.memory_space<hbm>>) target(%dma_start3A_364 : memref<128x16xf32, #tpu.memory_space<vmem>>) offsets(%dma_start3A_367 : memref<128xi32, #tpu.memory_space<vmem>>) semaphore(%arg7 : memref<!tpu.dma_semaphore, #tpu.memory_space<semaphore_mem>>)
    %dma_start3A_371 = arith.constant 18 : i32
    %dma_start3A_372 = arith.constant 18 : i32
    %dma_start3A_373 = arith.constant 0 : i32
    %dma_start3A_374 = arith.constant 0 : i32
    %dma_start3A_375 = tpu.memref_slice %arg6[%dma_start3A_372, %dma_start3A_373, %dma_start3A_374] : memref<26x128x16xf32, #tpu.memory_space<vmem>> -> memref<1x128x16xf32, #tpu.memory_space<vmem>>
    %dma_start3A_376 = tpu.memref_squeeze %dma_start3A_375 : memref<1x128x16xf32, #tpu.memory_space<vmem>> -> memref<128x16xf32, #tpu.memory_space<vmem>>
    %dma_start3A_377 = arith.constant 0 : i32
    %dma_start3A_378 = tpu.memref_slice %arg5[%dma_start3A_371, %dma_start3A_377] : memref<26x128xi32, #tpu.memory_space<vmem>> -> memref<1x128xi32, #tpu.memory_space<vmem>>
    %dma_start3A_379 = tpu.memref_squeeze %dma_start3A_378 : memref<1x128xi32, #tpu.memory_space<vmem>> -> memref<128xi32, #tpu.memory_space<vmem>>
    %dma_start3A_380 = arith.constant 0 : i32
    %dma_start3A_381 = arith.constant 0 : i32
    %dma_start3A_382 = tpu.memref_slice %arg2[%dma_start3A_380, %dma_start3A_381] : memref<401408x16xf32, #tpu.memory_space<hbm>> -> memref<401408x16xf32, #tpu.memory_space<hbm>>
    tpu.enqueue_indirect_dma source(%dma_start3A_382 : memref<401408x16xf32, #tpu.memory_space<hbm>>) target(%dma_start3A_376 : memref<128x16xf32, #tpu.memory_space<vmem>>) offsets(%dma_start3A_379 : memref<128xi32, #tpu.memory_space<vmem>>) semaphore(%arg7 : memref<!tpu.dma_semaphore, #tpu.memory_space<semaphore_mem>>)
    %dma_start3A_383 = arith.constant 19 : i32
    %dma_start3A_384 = arith.constant 19 : i32
    %dma_start3A_385 = arith.constant 0 : i32
    %dma_start3A_386 = arith.constant 0 : i32
    %dma_start3A_387 = tpu.memref_slice %arg6[%dma_start3A_384, %dma_start3A_385, %dma_start3A_386] : memref<26x128x16xf32, #tpu.memory_space<vmem>> -> memref<1x128x16xf32, #tpu.memory_space<vmem>>
    %dma_start3A_388 = tpu.memref_squeeze %dma_start3A_387 : memref<1x128x16xf32, #tpu.memory_space<vmem>> -> memref<128x16xf32, #tpu.memory_space<vmem>>
    %dma_start3A_389 = arith.constant 0 : i32
    %dma_start3A_390 = tpu.memref_slice %arg5[%dma_start3A_383, %dma_start3A_389] : memref<26x128xi32, #tpu.memory_space<vmem>> -> memref<1x128xi32, #tpu.memory_space<vmem>>
    %dma_start3A_391 = tpu.memref_squeeze %dma_start3A_390 : memref<1x128xi32, #tpu.memory_space<vmem>> -> memref<128xi32, #tpu.memory_space<vmem>>
    %dma_start3A_392 = arith.constant 0 : i32
    %dma_start3A_393 = arith.constant 0 : i32
    %dma_start3A_394 = tpu.memref_slice %arg2[%dma_start3A_392, %dma_start3A_393] : memref<401408x16xf32, #tpu.memory_space<hbm>> -> memref<401408x16xf32, #tpu.memory_space<hbm>>
    tpu.enqueue_indirect_dma source(%dma_start3A_394 : memref<401408x16xf32, #tpu.memory_space<hbm>>) target(%dma_start3A_388 : memref<128x16xf32, #tpu.memory_space<vmem>>) offsets(%dma_start3A_391 : memref<128xi32, #tpu.memory_space<vmem>>) semaphore(%arg7 : memref<!tpu.dma_semaphore, #tpu.memory_space<semaphore_mem>>)
    %dma_start3A_395 = arith.constant 20 : i32
    %dma_start3A_396 = arith.constant 20 : i32
    %dma_start3A_397 = arith.constant 0 : i32
    %dma_start3A_398 = arith.constant 0 : i32
    %dma_start3A_399 = tpu.memref_slice %arg6[%dma_start3A_396, %dma_start3A_397, %dma_start3A_398] : memref<26x128x16xf32, #tpu.memory_space<vmem>> -> memref<1x128x16xf32, #tpu.memory_space<vmem>>
    %dma_start3A_400 = tpu.memref_squeeze %dma_start3A_399 : memref<1x128x16xf32, #tpu.memory_space<vmem>> -> memref<128x16xf32, #tpu.memory_space<vmem>>
    %dma_start3A_401 = arith.constant 0 : i32
    %dma_start3A_402 = tpu.memref_slice %arg5[%dma_start3A_395, %dma_start3A_401] : memref<26x128xi32, #tpu.memory_space<vmem>> -> memref<1x128xi32, #tpu.memory_space<vmem>>
    %dma_start3A_403 = tpu.memref_squeeze %dma_start3A_402 : memref<1x128xi32, #tpu.memory_space<vmem>> -> memref<128xi32, #tpu.memory_space<vmem>>
    %dma_start3A_404 = arith.constant 0 : i32
    %dma_start3A_405 = arith.constant 0 : i32
    %dma_start3A_406 = tpu.memref_slice %arg2[%dma_start3A_404, %dma_start3A_405] : memref<401408x16xf32, #tpu.memory_space<hbm>> -> memref<401408x16xf32, #tpu.memory_space<hbm>>
    tpu.enqueue_indirect_dma source(%dma_start3A_406 : memref<401408x16xf32, #tpu.memory_space<hbm>>) target(%dma_start3A_400 : memref<128x16xf32, #tpu.memory_space<vmem>>) offsets(%dma_start3A_403 : memref<128xi32, #tpu.memory_space<vmem>>) semaphore(%arg7 : memref<!tpu.dma_semaphore, #tpu.memory_space<semaphore_mem>>)
    %dma_start3A_407 = arith.constant 21 : i32
    %dma_start3A_408 = arith.constant 21 : i32
    %dma_start3A_409 = arith.constant 0 : i32
    %dma_start3A_410 = arith.constant 0 : i32
    %dma_start3A_411 = tpu.memref_slice %arg6[%dma_start3A_408, %dma_start3A_409, %dma_start3A_410] : memref<26x128x16xf32, #tpu.memory_space<vmem>> -> memref<1x128x16xf32, #tpu.memory_space<vmem>>
    %dma_start3A_412 = tpu.memref_squeeze %dma_start3A_411 : memref<1x128x16xf32, #tpu.memory_space<vmem>> -> memref<128x16xf32, #tpu.memory_space<vmem>>
    %dma_start3A_413 = arith.constant 0 : i32
    %dma_start3A_414 = tpu.memref_slice %arg5[%dma_start3A_407, %dma_start3A_413] : memref<26x128xi32, #tpu.memory_space<vmem>> -> memref<1x128xi32, #tpu.memory_space<vmem>>
    %dma_start3A_415 = tpu.memref_squeeze %dma_start3A_414 : memref<1x128xi32, #tpu.memory_space<vmem>> -> memref<128xi32, #tpu.memory_space<vmem>>
    %dma_start3A_416 = arith.constant 0 : i32
    %dma_start3A_417 = arith.constant 0 : i32
    %dma_start3A_418 = tpu.memref_slice %arg2[%dma_start3A_416, %dma_start3A_417] : memref<401408x16xf32, #tpu.memory_space<hbm>> -> memref<401408x16xf32, #tpu.memory_space<hbm>>
    tpu.enqueue_indirect_dma source(%dma_start3A_418 : memref<401408x16xf32, #tpu.memory_space<hbm>>) target(%dma_start3A_412 : memref<128x16xf32, #tpu.memory_space<vmem>>) offsets(%dma_start3A_415 : memref<128xi32, #tpu.memory_space<vmem>>) semaphore(%arg7 : memref<!tpu.dma_semaphore, #tpu.memory_space<semaphore_mem>>)
    %dma_start3A_419 = arith.constant 22 : i32
    %dma_start3A_420 = arith.constant 22 : i32
    %dma_start3A_421 = arith.constant 0 : i32
    %dma_start3A_422 = arith.constant 0 : i32
    %dma_start3A_423 = tpu.memref_slice %arg6[%dma_start3A_420, %dma_start3A_421, %dma_start3A_422] : memref<26x128x16xf32, #tpu.memory_space<vmem>> -> memref<1x128x16xf32, #tpu.memory_space<vmem>>
    %dma_start3A_424 = tpu.memref_squeeze %dma_start3A_423 : memref<1x128x16xf32, #tpu.memory_space<vmem>> -> memref<128x16xf32, #tpu.memory_space<vmem>>
    %dma_start3A_425 = arith.constant 0 : i32
    %dma_start3A_426 = tpu.memref_slice %arg5[%dma_start3A_419, %dma_start3A_425] : memref<26x128xi32, #tpu.memory_space<vmem>> -> memref<1x128xi32, #tpu.memory_space<vmem>>
    %dma_start3A_427 = tpu.memref_squeeze %dma_start3A_426 : memref<1x128xi32, #tpu.memory_space<vmem>> -> memref<128xi32, #tpu.memory_space<vmem>>
    %dma_start3A_428 = arith.constant 0 : i32
    %dma_start3A_429 = arith.constant 0 : i32
    %dma_start3A_430 = tpu.memref_slice %arg2[%dma_start3A_428, %dma_start3A_429] : memref<401408x16xf32, #tpu.memory_space<hbm>> -> memref<401408x16xf32, #tpu.memory_space<hbm>>
    tpu.enqueue_indirect_dma source(%dma_start3A_430 : memref<401408x16xf32, #tpu.memory_space<hbm>>) target(%dma_start3A_424 : memref<128x16xf32, #tpu.memory_space<vmem>>) offsets(%dma_start3A_427 : memref<128xi32, #tpu.memory_space<vmem>>) semaphore(%arg7 : memref<!tpu.dma_semaphore, #tpu.memory_space<semaphore_mem>>)
    %dma_start3A_431 = arith.constant 23 : i32
    %dma_start3A_432 = arith.constant 23 : i32
    %dma_start3A_433 = arith.constant 0 : i32
    %dma_start3A_434 = arith.constant 0 : i32
    %dma_start3A_435 = tpu.memref_slice %arg6[%dma_start3A_432, %dma_start3A_433, %dma_start3A_434] : memref<26x128x16xf32, #tpu.memory_space<vmem>> -> memref<1x128x16xf32, #tpu.memory_space<vmem>>
    %dma_start3A_436 = tpu.memref_squeeze %dma_start3A_435 : memref<1x128x16xf32, #tpu.memory_space<vmem>> -> memref<128x16xf32, #tpu.memory_space<vmem>>
    %dma_start3A_437 = arith.constant 0 : i32
    %dma_start3A_438 = tpu.memref_slice %arg5[%dma_start3A_431, %dma_start3A_437] : memref<26x128xi32, #tpu.memory_space<vmem>> -> memref<1x128xi32, #tpu.memory_space<vmem>>
    %dma_start3A_439 = tpu.memref_squeeze %dma_start3A_438 : memref<1x128xi32, #tpu.memory_space<vmem>> -> memref<128xi32, #tpu.memory_space<vmem>>
    %dma_start3A_440 = arith.constant 0 : i32
    %dma_start3A_441 = arith.constant 0 : i32
    %dma_start3A_442 = tpu.memref_slice %arg2[%dma_start3A_440, %dma_start3A_441] : memref<401408x16xf32, #tpu.memory_space<hbm>> -> memref<401408x16xf32, #tpu.memory_space<hbm>>
    tpu.enqueue_indirect_dma source(%dma_start3A_442 : memref<401408x16xf32, #tpu.memory_space<hbm>>) target(%dma_start3A_436 : memref<128x16xf32, #tpu.memory_space<vmem>>) offsets(%dma_start3A_439 : memref<128xi32, #tpu.memory_space<vmem>>) semaphore(%arg7 : memref<!tpu.dma_semaphore, #tpu.memory_space<semaphore_mem>>)
    %dma_start3A_443 = arith.constant 24 : i32
    %dma_start3A_444 = arith.constant 24 : i32
    %dma_start3A_445 = arith.constant 0 : i32
    %dma_start3A_446 = arith.constant 0 : i32
    %dma_start3A_447 = tpu.memref_slice %arg6[%dma_start3A_444, %dma_start3A_445, %dma_start3A_446] : memref<26x128x16xf32, #tpu.memory_space<vmem>> -> memref<1x128x16xf32, #tpu.memory_space<vmem>>
    %dma_start3A_448 = tpu.memref_squeeze %dma_start3A_447 : memref<1x128x16xf32, #tpu.memory_space<vmem>> -> memref<128x16xf32, #tpu.memory_space<vmem>>
    %dma_start3A_449 = arith.constant 0 : i32
    %dma_start3A_450 = tpu.memref_slice %arg5[%dma_start3A_443, %dma_start3A_449] : memref<26x128xi32, #tpu.memory_space<vmem>> -> memref<1x128xi32, #tpu.memory_space<vmem>>
    %dma_start3A_451 = tpu.memref_squeeze %dma_start3A_450 : memref<1x128xi32, #tpu.memory_space<vmem>> -> memref<128xi32, #tpu.memory_space<vmem>>
    %dma_start3A_452 = arith.constant 0 : i32
    %dma_start3A_453 = arith.constant 0 : i32
    %dma_start3A_454 = tpu.memref_slice %arg2[%dma_start3A_452, %dma_start3A_453] : memref<401408x16xf32, #tpu.memory_space<hbm>> -> memref<401408x16xf32, #tpu.memory_space<hbm>>
    tpu.enqueue_indirect_dma source(%dma_start3A_454 : memref<401408x16xf32, #tpu.memory_space<hbm>>) target(%dma_start3A_448 : memref<128x16xf32, #tpu.memory_space<vmem>>) offsets(%dma_start3A_451 : memref<128xi32, #tpu.memory_space<vmem>>) semaphore(%arg7 : memref<!tpu.dma_semaphore, #tpu.memory_space<semaphore_mem>>)
    %dma_start3A_455 = arith.constant 25 : i32
    %dma_start3A_456 = arith.constant 25 : i32
    %dma_start3A_457 = arith.constant 0 : i32
    %dma_start3A_458 = arith.constant 0 : i32
    %dma_start3A_459 = tpu.memref_slice %arg6[%dma_start3A_456, %dma_start3A_457, %dma_start3A_458] : memref<26x128x16xf32, #tpu.memory_space<vmem>> -> memref<1x128x16xf32, #tpu.memory_space<vmem>>
    %dma_start3A_460 = tpu.memref_squeeze %dma_start3A_459 : memref<1x128x16xf32, #tpu.memory_space<vmem>> -> memref<128x16xf32, #tpu.memory_space<vmem>>
    %dma_start3A_461 = arith.constant 0 : i32
    %dma_start3A_462 = tpu.memref_slice %arg5[%dma_start3A_455, %dma_start3A_461] : memref<26x128xi32, #tpu.memory_space<vmem>> -> memref<1x128xi32, #tpu.memory_space<vmem>>
    %dma_start3A_463 = tpu.memref_squeeze %dma_start3A_462 : memref<1x128xi32, #tpu.memory_space<vmem>> -> memref<128xi32, #tpu.memory_space<vmem>>
    %dma_start3A_464 = arith.constant 0 : i32
    %dma_start3A_465 = arith.constant 0 : i32
    %dma_start3A_466 = tpu.memref_slice %arg2[%dma_start3A_464, %dma_start3A_465] : memref<401408x16xf32, #tpu.memory_space<hbm>> -> memref<401408x16xf32, #tpu.memory_space<hbm>>
    tpu.enqueue_indirect_dma source(%dma_start3A_466 : memref<401408x16xf32, #tpu.memory_space<hbm>>) target(%dma_start3A_460 : memref<128x16xf32, #tpu.memory_space<vmem>>) offsets(%dma_start3A_463 : memref<128xi32, #tpu.memory_space<vmem>>) semaphore(%arg7 : memref<!tpu.dma_semaphore, #tpu.memory_space<semaphore_mem>>)
    %dma_wait3A_467 = arith.constant 13 : i32
    %dma_wait3A_468 = arith.constant 13 : i32
    %dma_wait3A_469 = arith.constant 0 : i32
    %dma_wait3A_470 = arith.constant 0 : i32
    %dma_wait3A_471 = tpu.memref_slice %arg6[%dma_wait3A_468, %dma_wait3A_469, %dma_wait3A_470] : memref<26x128x16xf32, #tpu.memory_space<vmem>> -> memref<1x128x16xf32, #tpu.memory_space<vmem>>
    %dma_wait3A_472 = tpu.memref_squeeze %dma_wait3A_471 : memref<1x128x16xf32, #tpu.memory_space<vmem>> -> memref<128x16xf32, #tpu.memory_space<vmem>>
    %dma_wait3A_473 = arith.constant 0 : i32
    %dma_wait3A_474 = tpu.memref_slice %arg5[%dma_wait3A_467, %dma_wait3A_473] : memref<26x128xi32, #tpu.memory_space<vmem>> -> memref<1x128xi32, #tpu.memory_space<vmem>>
    %dma_wait3A_475 = tpu.memref_squeeze %dma_wait3A_474 : memref<1x128xi32, #tpu.memory_space<vmem>> -> memref<128xi32, #tpu.memory_space<vmem>>
    %dma_wait3A_476 = arith.constant 0 : i32
    %dma_wait3A_477 = arith.constant 0 : i32
    %dma_wait3A_478 = tpu.memref_slice %arg2[%dma_wait3A_476, %dma_wait3A_477] : memref<401408x16xf32, #tpu.memory_space<hbm>> -> memref<401408x16xf32, #tpu.memory_space<hbm>>
    tpu.wait_indirect_dma semaphore(%arg7 : memref<!tpu.dma_semaphore, #tpu.memory_space<semaphore_mem>>) src(%dma_wait3A_478 : memref<401408x16xf32, #tpu.memory_space<hbm>>) dst(%dma_wait3A_472 : memref<128x16xf32, #tpu.memory_space<vmem>>)
    %dma_wait3A_479 = arith.constant 14 : i32
    %dma_wait3A_480 = arith.constant 14 : i32
    %dma_wait3A_481 = arith.constant 0 : i32
    %dma_wait3A_482 = arith.constant 0 : i32
    %dma_wait3A_483 = tpu.memref_slice %arg6[%dma_wait3A_480, %dma_wait3A_481, %dma_wait3A_482] : memref<26x128x16xf32, #tpu.memory_space<vmem>> -> memref<1x128x16xf32, #tpu.memory_space<vmem>>
    %dma_wait3A_484 = tpu.memref_squeeze %dma_wait3A_483 : memref<1x128x16xf32, #tpu.memory_space<vmem>> -> memref<128x16xf32, #tpu.memory_space<vmem>>
    %dma_wait3A_485 = arith.constant 0 : i32
    %dma_wait3A_486 = tpu.memref_slice %arg5[%dma_wait3A_479, %dma_wait3A_485] : memref<26x128xi32, #tpu.memory_space<vmem>> -> memref<1x128xi32, #tpu.memory_space<vmem>>
    %dma_wait3A_487 = tpu.memref_squeeze %dma_wait3A_486 : memref<1x128xi32, #tpu.memory_space<vmem>> -> memref<128xi32, #tpu.memory_space<vmem>>
    %dma_wait3A_488 = arith.constant 0 : i32
    %dma_wait3A_489 = arith.constant 0 : i32
    %dma_wait3A_490 = tpu.memref_slice %arg2[%dma_wait3A_488, %dma_wait3A_489] : memref<401408x16xf32, #tpu.memory_space<hbm>> -> memref<401408x16xf32, #tpu.memory_space<hbm>>
    tpu.wait_indirect_dma semaphore(%arg7 : memref<!tpu.dma_semaphore, #tpu.memory_space<semaphore_mem>>) src(%dma_wait3A_490 : memref<401408x16xf32, #tpu.memory_space<hbm>>) dst(%dma_wait3A_484 : memref<128x16xf32, #tpu.memory_space<vmem>>)
    %dma_wait3A_491 = arith.constant 15 : i32
    %dma_wait3A_492 = arith.constant 15 : i32
    %dma_wait3A_493 = arith.constant 0 : i32
    %dma_wait3A_494 = arith.constant 0 : i32
    %dma_wait3A_495 = tpu.memref_slice %arg6[%dma_wait3A_492, %dma_wait3A_493, %dma_wait3A_494] : memref<26x128x16xf32, #tpu.memory_space<vmem>> -> memref<1x128x16xf32, #tpu.memory_space<vmem>>
    %dma_wait3A_496 = tpu.memref_squeeze %dma_wait3A_495 : memref<1x128x16xf32, #tpu.memory_space<vmem>> -> memref<128x16xf32, #tpu.memory_space<vmem>>
    %dma_wait3A_497 = arith.constant 0 : i32
    %dma_wait3A_498 = tpu.memref_slice %arg5[%dma_wait3A_491, %dma_wait3A_497] : memref<26x128xi32, #tpu.memory_space<vmem>> -> memref<1x128xi32, #tpu.memory_space<vmem>>
    %dma_wait3A_499 = tpu.memref_squeeze %dma_wait3A_498 : memref<1x128xi32, #tpu.memory_space<vmem>> -> memref<128xi32, #tpu.memory_space<vmem>>
    %dma_wait3A_500 = arith.constant 0 : i32
    %dma_wait3A_501 = arith.constant 0 : i32
    %dma_wait3A_502 = tpu.memref_slice %arg2[%dma_wait3A_500, %dma_wait3A_501] : memref<401408x16xf32, #tpu.memory_space<hbm>> -> memref<401408x16xf32, #tpu.memory_space<hbm>>
    tpu.wait_indirect_dma semaphore(%arg7 : memref<!tpu.dma_semaphore, #tpu.memory_space<semaphore_mem>>) src(%dma_wait3A_502 : memref<401408x16xf32, #tpu.memory_space<hbm>>) dst(%dma_wait3A_496 : memref<128x16xf32, #tpu.memory_space<vmem>>)
    %dma_wait3A_503 = arith.constant 16 : i32
    %dma_wait3A_504 = arith.constant 16 : i32
    %dma_wait3A_505 = arith.constant 0 : i32
    %dma_wait3A_506 = arith.constant 0 : i32
    %dma_wait3A_507 = tpu.memref_slice %arg6[%dma_wait3A_504, %dma_wait3A_505, %dma_wait3A_506] : memref<26x128x16xf32, #tpu.memory_space<vmem>> -> memref<1x128x16xf32, #tpu.memory_space<vmem>>
    %dma_wait3A_508 = tpu.memref_squeeze %dma_wait3A_507 : memref<1x128x16xf32, #tpu.memory_space<vmem>> -> memref<128x16xf32, #tpu.memory_space<vmem>>
    %dma_wait3A_509 = arith.constant 0 : i32
    %dma_wait3A_510 = tpu.memref_slice %arg5[%dma_wait3A_503, %dma_wait3A_509] : memref<26x128xi32, #tpu.memory_space<vmem>> -> memref<1x128xi32, #tpu.memory_space<vmem>>
    %dma_wait3A_511 = tpu.memref_squeeze %dma_wait3A_510 : memref<1x128xi32, #tpu.memory_space<vmem>> -> memref<128xi32, #tpu.memory_space<vmem>>
    %dma_wait3A_512 = arith.constant 0 : i32
    %dma_wait3A_513 = arith.constant 0 : i32
    %dma_wait3A_514 = tpu.memref_slice %arg2[%dma_wait3A_512, %dma_wait3A_513] : memref<401408x16xf32, #tpu.memory_space<hbm>> -> memref<401408x16xf32, #tpu.memory_space<hbm>>
    tpu.wait_indirect_dma semaphore(%arg7 : memref<!tpu.dma_semaphore, #tpu.memory_space<semaphore_mem>>) src(%dma_wait3A_514 : memref<401408x16xf32, #tpu.memory_space<hbm>>) dst(%dma_wait3A_508 : memref<128x16xf32, #tpu.memory_space<vmem>>)
    %dma_wait3A_515 = arith.constant 17 : i32
    %dma_wait3A_516 = arith.constant 17 : i32
    %dma_wait3A_517 = arith.constant 0 : i32
    %dma_wait3A_518 = arith.constant 0 : i32
    %dma_wait3A_519 = tpu.memref_slice %arg6[%dma_wait3A_516, %dma_wait3A_517, %dma_wait3A_518] : memref<26x128x16xf32, #tpu.memory_space<vmem>> -> memref<1x128x16xf32, #tpu.memory_space<vmem>>
    %dma_wait3A_520 = tpu.memref_squeeze %dma_wait3A_519 : memref<1x128x16xf32, #tpu.memory_space<vmem>> -> memref<128x16xf32, #tpu.memory_space<vmem>>
    %dma_wait3A_521 = arith.constant 0 : i32
    %dma_wait3A_522 = tpu.memref_slice %arg5[%dma_wait3A_515, %dma_wait3A_521] : memref<26x128xi32, #tpu.memory_space<vmem>> -> memref<1x128xi32, #tpu.memory_space<vmem>>
    %dma_wait3A_523 = tpu.memref_squeeze %dma_wait3A_522 : memref<1x128xi32, #tpu.memory_space<vmem>> -> memref<128xi32, #tpu.memory_space<vmem>>
    %dma_wait3A_524 = arith.constant 0 : i32
    %dma_wait3A_525 = arith.constant 0 : i32
    %dma_wait3A_526 = tpu.memref_slice %arg2[%dma_wait3A_524, %dma_wait3A_525] : memref<401408x16xf32, #tpu.memory_space<hbm>> -> memref<401408x16xf32, #tpu.memory_space<hbm>>
    tpu.wait_indirect_dma semaphore(%arg7 : memref<!tpu.dma_semaphore, #tpu.memory_space<semaphore_mem>>) src(%dma_wait3A_526 : memref<401408x16xf32, #tpu.memory_space<hbm>>) dst(%dma_wait3A_520 : memref<128x16xf32, #tpu.memory_space<vmem>>)
    %dma_wait3A_527 = arith.constant 18 : i32
    %dma_wait3A_528 = arith.constant 18 : i32
    %dma_wait3A_529 = arith.constant 0 : i32
    %dma_wait3A_530 = arith.constant 0 : i32
    %dma_wait3A_531 = tpu.memref_slice %arg6[%dma_wait3A_528, %dma_wait3A_529, %dma_wait3A_530] : memref<26x128x16xf32, #tpu.memory_space<vmem>> -> memref<1x128x16xf32, #tpu.memory_space<vmem>>
    %dma_wait3A_532 = tpu.memref_squeeze %dma_wait3A_531 : memref<1x128x16xf32, #tpu.memory_space<vmem>> -> memref<128x16xf32, #tpu.memory_space<vmem>>
    %dma_wait3A_533 = arith.constant 0 : i32
    %dma_wait3A_534 = tpu.memref_slice %arg5[%dma_wait3A_527, %dma_wait3A_533] : memref<26x128xi32, #tpu.memory_space<vmem>> -> memref<1x128xi32, #tpu.memory_space<vmem>>
    %dma_wait3A_535 = tpu.memref_squeeze %dma_wait3A_534 : memref<1x128xi32, #tpu.memory_space<vmem>> -> memref<128xi32, #tpu.memory_space<vmem>>
    %dma_wait3A_536 = arith.constant 0 : i32
    %dma_wait3A_537 = arith.constant 0 : i32
    %dma_wait3A_538 = tpu.memref_slice %arg2[%dma_wait3A_536, %dma_wait3A_537] : memref<401408x16xf32, #tpu.memory_space<hbm>> -> memref<401408x16xf32, #tpu.memory_space<hbm>>
    tpu.wait_indirect_dma semaphore(%arg7 : memref<!tpu.dma_semaphore, #tpu.memory_space<semaphore_mem>>) src(%dma_wait3A_538 : memref<401408x16xf32, #tpu.memory_space<hbm>>) dst(%dma_wait3A_532 : memref<128x16xf32, #tpu.memory_space<vmem>>)
    %dma_wait3A_539 = arith.constant 19 : i32
    %dma_wait3A_540 = arith.constant 19 : i32
    %dma_wait3A_541 = arith.constant 0 : i32
    %dma_wait3A_542 = arith.constant 0 : i32
    %dma_wait3A_543 = tpu.memref_slice %arg6[%dma_wait3A_540, %dma_wait3A_541, %dma_wait3A_542] : memref<26x128x16xf32, #tpu.memory_space<vmem>> -> memref<1x128x16xf32, #tpu.memory_space<vmem>>
    %dma_wait3A_544 = tpu.memref_squeeze %dma_wait3A_543 : memref<1x128x16xf32, #tpu.memory_space<vmem>> -> memref<128x16xf32, #tpu.memory_space<vmem>>
    %dma_wait3A_545 = arith.constant 0 : i32
    %dma_wait3A_546 = tpu.memref_slice %arg5[%dma_wait3A_539, %dma_wait3A_545] : memref<26x128xi32, #tpu.memory_space<vmem>> -> memref<1x128xi32, #tpu.memory_space<vmem>>
    %dma_wait3A_547 = tpu.memref_squeeze %dma_wait3A_546 : memref<1x128xi32, #tpu.memory_space<vmem>> -> memref<128xi32, #tpu.memory_space<vmem>>
    %dma_wait3A_548 = arith.constant 0 : i32
    %dma_wait3A_549 = arith.constant 0 : i32
    %dma_wait3A_550 = tpu.memref_slice %arg2[%dma_wait3A_548, %dma_wait3A_549] : memref<401408x16xf32, #tpu.memory_space<hbm>> -> memref<401408x16xf32, #tpu.memory_space<hbm>>
    tpu.wait_indirect_dma semaphore(%arg7 : memref<!tpu.dma_semaphore, #tpu.memory_space<semaphore_mem>>) src(%dma_wait3A_550 : memref<401408x16xf32, #tpu.memory_space<hbm>>) dst(%dma_wait3A_544 : memref<128x16xf32, #tpu.memory_space<vmem>>)
    %dma_wait3A_551 = arith.constant 20 : i32
    %dma_wait3A_552 = arith.constant 20 : i32
    %dma_wait3A_553 = arith.constant 0 : i32
    %dma_wait3A_554 = arith.constant 0 : i32
    %dma_wait3A_555 = tpu.memref_slice %arg6[%dma_wait3A_552, %dma_wait3A_553, %dma_wait3A_554] : memref<26x128x16xf32, #tpu.memory_space<vmem>> -> memref<1x128x16xf32, #tpu.memory_space<vmem>>
    %dma_wait3A_556 = tpu.memref_squeeze %dma_wait3A_555 : memref<1x128x16xf32, #tpu.memory_space<vmem>> -> memref<128x16xf32, #tpu.memory_space<vmem>>
    %dma_wait3A_557 = arith.constant 0 : i32
    %dma_wait3A_558 = tpu.memref_slice %arg5[%dma_wait3A_551, %dma_wait3A_557] : memref<26x128xi32, #tpu.memory_space<vmem>> -> memref<1x128xi32, #tpu.memory_space<vmem>>
    %dma_wait3A_559 = tpu.memref_squeeze %dma_wait3A_558 : memref<1x128xi32, #tpu.memory_space<vmem>> -> memref<128xi32, #tpu.memory_space<vmem>>
    %dma_wait3A_560 = arith.constant 0 : i32
    %dma_wait3A_561 = arith.constant 0 : i32
    %dma_wait3A_562 = tpu.memref_slice %arg2[%dma_wait3A_560, %dma_wait3A_561] : memref<401408x16xf32, #tpu.memory_space<hbm>> -> memref<401408x16xf32, #tpu.memory_space<hbm>>
    tpu.wait_indirect_dma semaphore(%arg7 : memref<!tpu.dma_semaphore, #tpu.memory_space<semaphore_mem>>) src(%dma_wait3A_562 : memref<401408x16xf32, #tpu.memory_space<hbm>>) dst(%dma_wait3A_556 : memref<128x16xf32, #tpu.memory_space<vmem>>)
    %dma_wait3A_563 = arith.constant 21 : i32
    %dma_wait3A_564 = arith.constant 21 : i32
    %dma_wait3A_565 = arith.constant 0 : i32
    %dma_wait3A_566 = arith.constant 0 : i32
    %dma_wait3A_567 = tpu.memref_slice %arg6[%dma_wait3A_564, %dma_wait3A_565, %dma_wait3A_566] : memref<26x128x16xf32, #tpu.memory_space<vmem>> -> memref<1x128x16xf32, #tpu.memory_space<vmem>>
    %dma_wait3A_568 = tpu.memref_squeeze %dma_wait3A_567 : memref<1x128x16xf32, #tpu.memory_space<vmem>> -> memref<128x16xf32, #tpu.memory_space<vmem>>
    %dma_wait3A_569 = arith.constant 0 : i32
    %dma_wait3A_570 = tpu.memref_slice %arg5[%dma_wait3A_563, %dma_wait3A_569] : memref<26x128xi32, #tpu.memory_space<vmem>> -> memref<1x128xi32, #tpu.memory_space<vmem>>
    %dma_wait3A_571 = tpu.memref_squeeze %dma_wait3A_570 : memref<1x128xi32, #tpu.memory_space<vmem>> -> memref<128xi32, #tpu.memory_space<vmem>>
    %dma_wait3A_572 = arith.constant 0 : i32
    %dma_wait3A_573 = arith.constant 0 : i32
    %dma_wait3A_574 = tpu.memref_slice %arg2[%dma_wait3A_572, %dma_wait3A_573] : memref<401408x16xf32, #tpu.memory_space<hbm>> -> memref<401408x16xf32, #tpu.memory_space<hbm>>
    tpu.wait_indirect_dma semaphore(%arg7 : memref<!tpu.dma_semaphore, #tpu.memory_space<semaphore_mem>>) src(%dma_wait3A_574 : memref<401408x16xf32, #tpu.memory_space<hbm>>) dst(%dma_wait3A_568 : memref<128x16xf32, #tpu.memory_space<vmem>>)
    %dma_wait3A_575 = arith.constant 22 : i32
    %dma_wait3A_576 = arith.constant 22 : i32
    %dma_wait3A_577 = arith.constant 0 : i32
    %dma_wait3A_578 = arith.constant 0 : i32
    %dma_wait3A_579 = tpu.memref_slice %arg6[%dma_wait3A_576, %dma_wait3A_577, %dma_wait3A_578] : memref<26x128x16xf32, #tpu.memory_space<vmem>> -> memref<1x128x16xf32, #tpu.memory_space<vmem>>
    %dma_wait3A_580 = tpu.memref_squeeze %dma_wait3A_579 : memref<1x128x16xf32, #tpu.memory_space<vmem>> -> memref<128x16xf32, #tpu.memory_space<vmem>>
    %dma_wait3A_581 = arith.constant 0 : i32
    %dma_wait3A_582 = tpu.memref_slice %arg5[%dma_wait3A_575, %dma_wait3A_581] : memref<26x128xi32, #tpu.memory_space<vmem>> -> memref<1x128xi32, #tpu.memory_space<vmem>>
    %dma_wait3A_583 = tpu.memref_squeeze %dma_wait3A_582 : memref<1x128xi32, #tpu.memory_space<vmem>> -> memref<128xi32, #tpu.memory_space<vmem>>
    %dma_wait3A_584 = arith.constant 0 : i32
    %dma_wait3A_585 = arith.constant 0 : i32
    %dma_wait3A_586 = tpu.memref_slice %arg2[%dma_wait3A_584, %dma_wait3A_585] : memref<401408x16xf32, #tpu.memory_space<hbm>> -> memref<401408x16xf32, #tpu.memory_space<hbm>>
    tpu.wait_indirect_dma semaphore(%arg7 : memref<!tpu.dma_semaphore, #tpu.memory_space<semaphore_mem>>) src(%dma_wait3A_586 : memref<401408x16xf32, #tpu.memory_space<hbm>>) dst(%dma_wait3A_580 : memref<128x16xf32, #tpu.memory_space<vmem>>)
    %dma_wait3A_587 = arith.constant 23 : i32
    %dma_wait3A_588 = arith.constant 23 : i32
    %dma_wait3A_589 = arith.constant 0 : i32
    %dma_wait3A_590 = arith.constant 0 : i32
    %dma_wait3A_591 = tpu.memref_slice %arg6[%dma_wait3A_588, %dma_wait3A_589, %dma_wait3A_590] : memref<26x128x16xf32, #tpu.memory_space<vmem>> -> memref<1x128x16xf32, #tpu.memory_space<vmem>>
    %dma_wait3A_592 = tpu.memref_squeeze %dma_wait3A_591 : memref<1x128x16xf32, #tpu.memory_space<vmem>> -> memref<128x16xf32, #tpu.memory_space<vmem>>
    %dma_wait3A_593 = arith.constant 0 : i32
    %dma_wait3A_594 = tpu.memref_slice %arg5[%dma_wait3A_587, %dma_wait3A_593] : memref<26x128xi32, #tpu.memory_space<vmem>> -> memref<1x128xi32, #tpu.memory_space<vmem>>
    %dma_wait3A_595 = tpu.memref_squeeze %dma_wait3A_594 : memref<1x128xi32, #tpu.memory_space<vmem>> -> memref<128xi32, #tpu.memory_space<vmem>>
    %dma_wait3A_596 = arith.constant 0 : i32
    %dma_wait3A_597 = arith.constant 0 : i32
    %dma_wait3A_598 = tpu.memref_slice %arg2[%dma_wait3A_596, %dma_wait3A_597] : memref<401408x16xf32, #tpu.memory_space<hbm>> -> memref<401408x16xf32, #tpu.memory_space<hbm>>
    tpu.wait_indirect_dma semaphore(%arg7 : memref<!tpu.dma_semaphore, #tpu.memory_space<semaphore_mem>>) src(%dma_wait3A_598 : memref<401408x16xf32, #tpu.memory_space<hbm>>) dst(%dma_wait3A_592 : memref<128x16xf32, #tpu.memory_space<vmem>>)
    %dma_wait3A_599 = arith.constant 24 : i32
    %dma_wait3A_600 = arith.constant 24 : i32
    %dma_wait3A_601 = arith.constant 0 : i32
    %dma_wait3A_602 = arith.constant 0 : i32
    %dma_wait3A_603 = tpu.memref_slice %arg6[%dma_wait3A_600, %dma_wait3A_601, %dma_wait3A_602] : memref<26x128x16xf32, #tpu.memory_space<vmem>> -> memref<1x128x16xf32, #tpu.memory_space<vmem>>
    %dma_wait3A_604 = tpu.memref_squeeze %dma_wait3A_603 : memref<1x128x16xf32, #tpu.memory_space<vmem>> -> memref<128x16xf32, #tpu.memory_space<vmem>>
    %dma_wait3A_605 = arith.constant 0 : i32
    %dma_wait3A_606 = tpu.memref_slice %arg5[%dma_wait3A_599, %dma_wait3A_605] : memref<26x128xi32, #tpu.memory_space<vmem>> -> memref<1x128xi32, #tpu.memory_space<vmem>>
    %dma_wait3A_607 = tpu.memref_squeeze %dma_wait3A_606 : memref<1x128xi32, #tpu.memory_space<vmem>> -> memref<128xi32, #tpu.memory_space<vmem>>
    %dma_wait3A_608 = arith.constant 0 : i32
    %dma_wait3A_609 = arith.constant 0 : i32
    %dma_wait3A_610 = tpu.memref_slice %arg2[%dma_wait3A_608, %dma_wait3A_609] : memref<401408x16xf32, #tpu.memory_space<hbm>> -> memref<401408x16xf32, #tpu.memory_space<hbm>>
    tpu.wait_indirect_dma semaphore(%arg7 : memref<!tpu.dma_semaphore, #tpu.memory_space<semaphore_mem>>) src(%dma_wait3A_610 : memref<401408x16xf32, #tpu.memory_space<hbm>>) dst(%dma_wait3A_604 : memref<128x16xf32, #tpu.memory_space<vmem>>)
    %dma_wait3A_611 = arith.constant 25 : i32
    %dma_wait3A_612 = arith.constant 25 : i32
    %dma_wait3A_613 = arith.constant 0 : i32
    %dma_wait3A_614 = arith.constant 0 : i32
    %dma_wait3A_615 = tpu.memref_slice %arg6[%dma_wait3A_612, %dma_wait3A_613, %dma_wait3A_614] : memref<26x128x16xf32, #tpu.memory_space<vmem>> -> memref<1x128x16xf32, #tpu.memory_space<vmem>>
    %dma_wait3A_616 = tpu.memref_squeeze %dma_wait3A_615 : memref<1x128x16xf32, #tpu.memory_space<vmem>> -> memref<128x16xf32, #tpu.memory_space<vmem>>
    %dma_wait3A_617 = arith.constant 0 : i32
    %dma_wait3A_618 = tpu.memref_slice %arg5[%dma_wait3A_611, %dma_wait3A_617] : memref<26x128xi32, #tpu.memory_space<vmem>> -> memref<1x128xi32, #tpu.memory_space<vmem>>
    %dma_wait3A_619 = tpu.memref_squeeze %dma_wait3A_618 : memref<1x128xi32, #tpu.memory_space<vmem>> -> memref<128xi32, #tpu.memory_space<vmem>>
    %dma_wait3A_620 = arith.constant 0 : i32
    %dma_wait3A_621 = arith.constant 0 : i32
    %dma_wait3A_622 = tpu.memref_slice %arg2[%dma_wait3A_620, %dma_wait3A_621] : memref<401408x16xf32, #tpu.memory_space<hbm>> -> memref<401408x16xf32, #tpu.memory_space<hbm>>
    tpu.wait_indirect_dma semaphore(%arg7 : memref<!tpu.dma_semaphore, #tpu.memory_space<semaphore_mem>>) src(%dma_wait3A_622 : memref<401408x16xf32, #tpu.memory_space<hbm>>) dst(%dma_wait3A_616 : memref<128x16xf32, #tpu.memory_space<vmem>>)
    "tpu.region"() ({
      %run_scoped3A = tpu.sem_alloc : memref<!tpu.dma_semaphore, #tpu.memory_space<semaphore_mem>>
      %dma_start3A_623 = arith.constant 0 : i32
      %dma_start3A_624 = arith.constant 0 : i32
      %dma_start3A_625 = arith.constant 0 : i32
      %dma_start3A_626 = tpu.memref_slice %arg4[%add3A, %dma_start3A_623, %dma_start3A_624, %dma_start3A_625] : memref<32x26x128x16xf32, #tpu.memory_space<hbm>> -> memref<1x26x128x16xf32, #tpu.memory_space<hbm>>
      %dma_start3A_627 = tpu.memref_squeeze %dma_start3A_626 : memref<1x26x128x16xf32, #tpu.memory_space<hbm>> -> memref<26x128x16xf32, #tpu.memory_space<hbm>>
      %dma_start3A_628 = arith.constant 0 : i32
      %dma_start3A_629 = arith.constant 0 : i32
      %dma_start3A_630 = arith.constant 0 : i32
      %dma_start3A_631 = tpu.memref_slice %arg4[%add3A, %dma_start3A_628, %dma_start3A_629, %dma_start3A_630] : memref<32x26x128x16xf32, #tpu.memory_space<hbm>> -> memref<1x26x128x16xf32, #tpu.memory_space<hbm>>
      %dma_start3A_632 = tpu.memref_squeeze %dma_start3A_631 : memref<1x26x128x16xf32, #tpu.memory_space<hbm>> -> memref<26x128x16xf32, #tpu.memory_space<hbm>>
      tpu.enqueue_dma source(%arg6 : memref<26x128x16xf32, #tpu.memory_space<vmem>>) target(%dma_start3A_632 : memref<26x128x16xf32, #tpu.memory_space<hbm>>) target_semaphore(%run_scoped3A : memref<!tpu.dma_semaphore, #tpu.memory_space<semaphore_mem>>)
      %dma_wait3A_633 = arith.constant 0 : i32
      %dma_wait3A_634 = arith.constant 0 : i32
      %dma_wait3A_635 = arith.constant 0 : i32
      %dma_wait3A_636 = tpu.memref_slice %arg4[%add3A, %dma_wait3A_633, %dma_wait3A_634, %dma_wait3A_635] : memref<32x26x128x16xf32, #tpu.memory_space<hbm>> -> memref<1x26x128x16xf32, #tpu.memory_space<hbm>>
      %dma_wait3A_637 = tpu.memref_squeeze %dma_wait3A_636 : memref<1x26x128x16xf32, #tpu.memory_space<hbm>> -> memref<26x128x16xf32, #tpu.memory_space<hbm>>
      %dma_wait3A_638 = arith.constant 0 : i32
      %dma_wait3A_639 = arith.constant 0 : i32
      %dma_wait3A_640 = arith.constant 0 : i32
      %dma_wait3A_641 = tpu.memref_slice %arg4[%add3A, %dma_wait3A_638, %dma_wait3A_639, %dma_wait3A_640] : memref<32x26x128x16xf32, #tpu.memory_space<hbm>> -> memref<1x26x128x16xf32, #tpu.memory_space<hbm>>
      %dma_wait3A_642 = tpu.memref_squeeze %dma_wait3A_641 : memref<1x26x128x16xf32, #tpu.memory_space<hbm>> -> memref<26x128x16xf32, #tpu.memory_space<hbm>>
      tpu.wait_dma2 semaphore(%run_scoped3A : memref<!tpu.dma_semaphore, #tpu.memory_space<semaphore_mem>>) src(%arg6 : memref<26x128x16xf32, #tpu.memory_space<vmem>>) dst(%dma_wait3A_642 : memref<26x128x16xf32, #tpu.memory_space<hbm>>)
      tpu.yield
    }) : () -> ()
    return
  }
}

module attributes {stable_mosaic.version = 14 : i64} {
  func.func @_scores_body(%arg0: i32, %arg1: memref<1024x32xf32, #tpu.memory_space<vmem>>, %arg2: memref<1024x32xf32, #tpu.memory_space<vmem>>, %arg3: memref<2048x32xf32, #tpu.memory_space<vmem>>, %arg4: memref<2048x32xf32, #tpu.memory_space<vmem>>, %arg5: memref<1024x2048xf32, #tpu.memory_space<vmem>>, %arg6: memref<128x1024xf32, #tpu.memory_space<vmem>>, %arg7: memref<8x1024xf32, #tpu.memory_space<vmem>>) attributes {dimension_semantics = [#tpu.dimension_semantics<parallel>], iteration_bounds = array<i64: 49>, scalar_prefetch = 0 : i64, scratch_operands = 0 : i64, tpu.core_type = #tpu.core_type<tc>, window_params = [{pipeline_mode = #tpu.pipeline_mode<synchronous>, transform_indices = @transform_0, window_bounds = array<i64: 1024, 32>}, {pipeline_mode = #tpu.pipeline_mode<synchronous>, transform_indices = @transform_1, window_bounds = array<i64: 1024, 32>}, {transform_indices = @transform_2, window_bounds = array<i64: 2048, 32>}, {transform_indices = @transform_3, window_bounds = array<i64: 2048, 32>}, {transform_indices = @transform_4, window_bounds = array<i64: 1024, 2048>}, {transform_indices = @transform_5, window_bounds = array<i64: 128, 1024>}, {transform_indices = @transform_6, window_bounds = array<i64: 8, 1024>}]} {
    %get3A = arith.constant 0 : index
    %get3A_0 = arith.constant 0 : index
    %get3A_1 = vector.load %arg1[%get3A, %get3A_0] : memref<1024x32xf32, #tpu.memory_space<vmem>>, vector<1024x32xf32>
    %get3A_2 = arith.constant 0 : index
    %get3A_3 = arith.constant 0 : index
    %get3A_4 = vector.load %arg3[%get3A_2, %get3A_3] : memref<2048x32xf32, #tpu.memory_space<vmem>>, vector<2048x32xf32>
    %dot_general3A = arith.constant dense<0.000000e+00> : vector<1024x2048xf32>
    %dot_general3A_5 = tpu.matmul %get3A_1, %get3A_4, %dot_general3A {dimension_numbers = #tpu.dot_dimension_numbers<[1], [1], [0], [0], [0, 0, 1, 0], [], []>, transpose_lhs_hint = false} : vector<1024x32xf32>, vector<2048x32xf32>, vector<1024x2048xf32> -> vector<1024x2048xf32>
    %get3A_6 = arith.constant 0 : index
    %get3A_7 = arith.constant 0 : index
    %get3A_8 = vector.load %arg2[%get3A_6, %get3A_7] : memref<1024x32xf32, #tpu.memory_space<vmem>>, vector<1024x32xf32>
    %get3A_9 = arith.constant 0 : index
    %get3A_10 = arith.constant 0 : index
    %get3A_11 = vector.load %arg4[%get3A_9, %get3A_10] : memref<2048x32xf32, #tpu.memory_space<vmem>>, vector<2048x32xf32>
    %dot_general3A_12 = arith.constant dense<0.000000e+00> : vector<1024x2048xf32>
    %dot_general3A_13 = tpu.matmul %get3A_8, %get3A_11, %dot_general3A_12 {dimension_numbers = #tpu.dot_dimension_numbers<[1], [1], [0], [0], [0, 0, 1, 0], [], []>, transpose_lhs_hint = false} : vector<1024x32xf32>, vector<2048x32xf32>, vector<1024x2048xf32> -> vector<1024x2048xf32>
    %add3A = arith.addf %dot_general3A_5, %dot_general3A_13 : vector<1024x2048xf32>
    %mul3A = arith.constant 2048 : i32
    %mul3A_14 = arith.muli %arg0, %mul3A : i32
    %iota3A = tpu.iota {dimensions = array<i32: 1>} : vector<1024x2048xi32>
    %add3A_15 = vector.broadcast %mul3A_14 : i32 to vector<1024x2048xi32>
    %add3A_16 = arith.addi %add3A_15, %iota3A : vector<1024x2048xi32>
    %lt3A = arith.constant 100000 : i32
    %lt3A_17 = vector.broadcast %lt3A : i32 to vector<1024x2048xi32>
    %lt3A_18 = arith.cmpi slt, %add3A_16, %lt3A_17 : vector<1024x2048xi32>
    %jit3A = arith.constant -1.000000e+00 : f32
    %broadcast_in_dim3A = vector.broadcast %jit3A : f32 to vector<1024x2048xf32>
    %select_n3A = arith.select %lt3A_18, %add3A, %broadcast_in_dim3A : vector<1024x2048xi1>, vector<1024x2048xf32>
    %swap3A = arith.constant 0 : index
    %swap3A_19 = arith.constant 0 : index
    %swap3A_20 = vector.load %arg5[%swap3A, %swap3A_19] : memref<1024x2048xf32, #tpu.memory_space<vmem>>, vector<1024x2048xf32>
    tpu.vector_store %arg5[%swap3A, %swap3A_19], %select_n3A {strides = array<i32>} : memref<1024x2048xf32, #tpu.memory_space<vmem>>, vector<1024x2048xf32>,
    %transpose3A = tpu.transpose %select_n3A, [1, 0] : vector<1024x2048xf32> -> vector<2048x1024xf32>
    %reshape3A = vector.shape_cast %transpose3A : vector<2048x1024xf32> to vector<128x16x1024xf32>
    %reduce_max3A = arith.constant dense<0xFF800000> : vector<128x1024xf32>
    %reduce_max3A_21 = vector.multi_reduction <maximumf>, %reshape3A, %reduce_max3A [1] : vector<128x16x1024xf32> to vector<128x1024xf32>
    %reshape3A_22 = vector.shape_cast %reduce_max3A_21 : vector<128x1024xf32> to vector<8x16x1024xf32>
    %reduce_max3A_23 = arith.constant dense<0xFF800000> : vector<8x1024xf32>
    %reduce_max3A_24 = vector.multi_reduction <maximumf>, %reshape3A_22, %reduce_max3A_23 [1] : vector<8x16x1024xf32> to vector<8x1024xf32>
    %swap3A_25 = arith.constant 0 : index
    %swap3A_26 = arith.constant 0 : index
    %swap3A_27 = vector.load %arg6[%swap3A_25, %swap3A_26] : memref<128x1024xf32, #tpu.memory_space<vmem>>, vector<128x1024xf32>
    tpu.vector_store %arg6[%swap3A_25, %swap3A_26], %reduce_max3A_21 {strides = array<i32>} : memref<128x1024xf32, #tpu.memory_space<vmem>>, vector<128x1024xf32>,
    %swap3A_28 = arith.constant 0 : index
    %swap3A_29 = arith.constant 0 : index
    %swap3A_30 = vector.load %arg7[%swap3A_28, %swap3A_29] : memref<8x1024xf32, #tpu.memory_space<vmem>>, vector<8x1024xf32>
    tpu.vector_store %arg7[%swap3A_28, %swap3A_29], %reduce_max3A_24 {strides = array<i32>} : memref<8x1024xf32, #tpu.memory_space<vmem>>, vector<8x1024xf32>,
    return
  }
  func.func @transform_0(%arg0: i32) -> (i32, i32) {
    %c0_i32 = arith.constant 0 : i32
    %c0_i32_0 = arith.constant 0 : i32
    %c0_i32_1 = arith.constant 0 : i32
    return %c0_i32, %c0_i32_0 : i32, i32
  }
  func.func @transform_1(%arg0: i32) -> (i32, i32) {
    %c0_i32 = arith.constant 0 : i32
    %c0_i32_0 = arith.constant 0 : i32
    %c0_i32_1 = arith.constant 0 : i32
    return %c0_i32, %c0_i32_0 : i32, i32
  }
  func.func @transform_2(%arg0: i32) -> (i32, i32) {
    %c0_i32 = arith.constant 0 : i32
    %c0_i32_0 = arith.constant 0 : i32
    return %arg0, %c0_i32 : i32, i32
  }
  func.func @transform_3(%arg0: i32) -> (i32, i32) {
    %c0_i32 = arith.constant 0 : i32
    %c0_i32_0 = arith.constant 0 : i32
    return %arg0, %c0_i32 : i32, i32
  }
  func.func @transform_4(%arg0: i32) -> (i32, i32) {
    %c0_i32 = arith.constant 0 : i32
    %c0_i32_0 = arith.constant 0 : i32
    return %c0_i32, %arg0 : i32, i32
  }
  func.func @transform_5(%arg0: i32) -> (i32, i32) {
    %c0_i32 = arith.constant 0 : i32
    %c0_i32_0 = arith.constant 0 : i32
    return %arg0, %c0_i32 : i32, i32
  }
  func.func @transform_6(%arg0: i32) -> (i32, i32) {
    %c0_i32 = arith.constant 0 : i32
    %c0_i32_0 = arith.constant 0 : i32
    return %arg0, %c0_i32 : i32, i32
  }
}

module attributes {stable_mosaic.version = 14 : i64} {
  func.func @_extract_l2_body(%arg0: i32, %arg1: memref<512x392xf32, #tpu.memory_space<vmem>>, %arg2: memref<512x104xi32, #tpu.memory_space<vmem>>, %arg3: memref<512x392xf32, #tpu.memory_space<vmem>>) attributes {dimension_semantics = [#tpu.dimension_semantics<parallel>], iteration_bounds = array<i64: 2>, scalar_prefetch = 0 : i64, scratch_operands = 1 : i64, tpu.core_type = #tpu.core_type<tc>, window_params = [{transform_indices = @transform_0, window_bounds = array<i64: 512, 392>}, {transform_indices = @transform_1, window_bounds = array<i64: 512, 104>}]} {
    %get3A = arith.constant 0 : index
    %get3A_0 = arith.constant 0 : index
    %get3A_1 = vector.load %arg1[%get3A, %get3A_0] : memref<512x392xf32, #tpu.memory_space<vmem>>, vector<512x392xf32>
    %swap3A = arith.constant 0 : index
    %swap3A_2 = arith.constant 0 : index
    %swap3A_3 = vector.load %arg3[%swap3A, %swap3A_2] : memref<512x392xf32, #tpu.memory_space<vmem>>, vector<512x392xf32>
    tpu.vector_store %arg3[%swap3A, %swap3A_2], %get3A_1 {strides = array<i32>} : memref<512x392xf32, #tpu.memory_space<vmem>>, vector<512x392xf32>,
    %broadcast_in_dim3A = arith.constant 0 : i32
    %broadcast_in_dim3A_4 = vector.broadcast %broadcast_in_dim3A : i32 to vector<512x104xi32>
    %scan3A = arith.constant 0 : i32
    %scan3A_5 = arith.constant 104 : i32
    %scan3A_6 = arith.addi %scan3A, %scan3A_5 : i32
    %scan3A_7 = arith.constant 1 : i32
    %scan3A_8 = scf.for %scan3A_13 = %scan3A to %scan3A_6 step %scan3A_7 iter_args(%scan3A_14 = %broadcast_in_dim3A_4) -> (vector<512x104xi32>)  : i32 {
      %get3A_15 = arith.constant 0 : index
      %get3A_16 = arith.constant 0 : index
      %get3A_17 = vector.load %arg3[%get3A_15, %get3A_16] : memref<512x392xf32, #tpu.memory_space<vmem>>, vector<512x392xf32>
      %reduce_max3A = arith.constant dense<0xFF800000> : vector<512xf32>
      %reduce_max3A_18 = vector.multi_reduction <maximumf>, %get3A_17, %reduce_max3A [1] : vector<512x392xf32> to vector<512xf32>
      %broadcast_in_dim3A_19 = vector.shape_cast %reduce_max3A_18 : vector<512xf32> to vector<512x1xf32>
      %iota3A = tpu.iota {dimensions = array<i32: 1>} : vector<512x392xi32>
      %eq3A = vector.broadcast %broadcast_in_dim3A_19 : vector<512x1xf32> to vector<512x392xf32>
      %eq3A_20 = arith.cmpf oeq, %get3A_17, %eq3A : vector<512x392xf32>
      %jit3A = arith.constant 1073741824 : i32
      %broadcast_in_dim3A_21 = vector.broadcast %jit3A : i32 to vector<512x392xi32>
      %select_n3A = arith.select %eq3A_20, %iota3A, %broadcast_in_dim3A_21 : vector<512x392xi1>, vector<512x392xi32>
      %reduce_min3A = arith.constant dense<2147483647> : vector<512xi32>
      %reduce_min3A_22 = vector.multi_reduction <minsi>, %select_n3A, %reduce_min3A [1] : vector<512x392xi32> to vector<512xi32>
      %broadcast_in_dim3A_23 = vector.shape_cast %reduce_min3A_22 : vector<512xi32> to vector<512x1xi32>
      %eq3A_24 = vector.broadcast %broadcast_in_dim3A_19 : vector<512x1xf32> to vector<512x392xf32>
      %eq3A_25 = arith.cmpf oeq, %get3A_17, %eq3A_24 : vector<512x392xf32>
      %eq3A_26 = vector.broadcast %broadcast_in_dim3A_23 : vector<512x1xi32> to vector<512x392xi32>
      %eq3A_27 = arith.cmpi eq, %iota3A, %eq3A_26 : vector<512x392xi32>
      %and3A = arith.andi %eq3A_25, %eq3A_27 : vector<512x392xi1>
      %jit3A_28 = arith.constant 0xFF800000 : f32
      %broadcast_in_dim3A_29 = vector.broadcast %jit3A_28 : f32 to vector<512x392xf32>
      %select_n3A_30 = arith.select %and3A, %broadcast_in_dim3A_29, %get3A_17 : vector<512x392xi1>, vector<512x392xf32>
      %swap3A_31 = arith.constant 0 : index
      %swap3A_32 = arith.constant 0 : index
      %swap3A_33 = vector.load %arg3[%swap3A_31, %swap3A_32] : memref<512x392xf32, #tpu.memory_space<vmem>>, vector<512x392xf32>
      tpu.vector_store %arg3[%swap3A_31, %swap3A_32], %select_n3A_30 {strides = array<i32>} : memref<512x392xf32, #tpu.memory_space<vmem>>, vector<512x392xf32>,
      %iota3A_34 = tpu.iota {dimensions = array<i32: 1>} : vector<512x104xi32>
      %eq3A_35 = vector.broadcast %scan3A_13 : i32 to vector<512x104xi32>
      %eq3A_36 = arith.cmpi eq, %iota3A_34, %eq3A_35 : vector<512x104xi32>
      %broadcast_in_dim3A_37 = vector.shape_cast %broadcast_in_dim3A_23 : vector<512x1xi32> to vector<512x1xi32>
      %broadcast_in_dim3A_38 = vector.broadcast %broadcast_in_dim3A_37 : vector<512x1xi32> to vector<512x104xi32>
      %select_n3A_39 = arith.select %eq3A_36, %broadcast_in_dim3A_38, %scan3A_14 : vector<512x104xi1>, vector<512x104xi32>
      scf.yield %select_n3A_39 : vector<512x104xi32>
    }
    %scan3A_9 = arith.constant 104 : i32
    %swap3A_10 = arith.constant 0 : index
    %swap3A_11 = arith.constant 0 : index
    %swap3A_12 = vector.load %arg2[%swap3A_10, %swap3A_11] : memref<512x104xi32, #tpu.memory_space<vmem>>, vector<512x104xi32>
    tpu.vector_store %arg2[%swap3A_10, %swap3A_11], %scan3A_8 {strides = array<i32>} : memref<512x104xi32, #tpu.memory_space<vmem>>, vector<512x104xi32>,
    return
  }
  func.func @transform_0(%arg0: i32) -> (i32, i32) {
    %c0_i32 = arith.constant 0 : i32
    %c0_i32_0 = arith.constant 0 : i32
    return %arg0, %c0_i32 : i32, i32
  }
  func.func @transform_1(%arg0: i32) -> (i32, i32) {
    %c0_i32 = arith.constant 0 : i32
    %c0_i32_0 = arith.constant 0 : i32
    return %arg0, %c0_i32 : i32, i32
  }
}

module attributes {stable_mosaic.version = 14 : i64} {
  func.func @_extract_cand_body(%arg0: i32, %arg1: memref<512x1664xf32, #tpu.memory_space<vmem>>, %arg2: memref<512x1664xi32, #tpu.memory_space<vmem>>, %arg3: memref<512x104xi32, #tpu.memory_space<vmem>>, %arg4: memref<512x1664xf32, #tpu.memory_space<vmem>>) attributes {dimension_semantics = [#tpu.dimension_semantics<parallel>], iteration_bounds = array<i64: 2>, scalar_prefetch = 0 : i64, scratch_operands = 1 : i64, tpu.core_type = #tpu.core_type<tc>, window_params = [{transform_indices = @transform_0, window_bounds = array<i64: 512, 1664>}, {transform_indices = @transform_1, window_bounds = array<i64: 512, 1664>}, {transform_indices = @transform_2, window_bounds = array<i64: 512, 104>}]} {
    %get3A = arith.constant 0 : index
    %get3A_0 = arith.constant 0 : index
    %get3A_1 = vector.load %arg1[%get3A, %get3A_0] : memref<512x1664xf32, #tpu.memory_space<vmem>>, vector<512x1664xf32>
    %swap3A = arith.constant 0 : index
    %swap3A_2 = arith.constant 0 : index
    %swap3A_3 = vector.load %arg4[%swap3A, %swap3A_2] : memref<512x1664xf32, #tpu.memory_space<vmem>>, vector<512x1664xf32>
    tpu.vector_store %arg4[%swap3A, %swap3A_2], %get3A_1 {strides = array<i32>} : memref<512x1664xf32, #tpu.memory_space<vmem>>, vector<512x1664xf32>,
    %get3A_4 = arith.constant 0 : index
    %get3A_5 = arith.constant 0 : index
    %get3A_6 = vector.load %arg2[%get3A_4, %get3A_5] : memref<512x1664xi32, #tpu.memory_space<vmem>>, vector<512x1664xi32>
    %broadcast_in_dim3A = arith.constant 0 : i32
    %broadcast_in_dim3A_7 = vector.broadcast %broadcast_in_dim3A : i32 to vector<512x104xi32>
    %scan3A = arith.constant 0 : i32
    %scan3A_8 = arith.constant 104 : i32
    %scan3A_9 = arith.addi %scan3A, %scan3A_8 : i32
    %scan3A_10 = arith.constant 1 : i32
    %scan3A_11 = scf.for %scan3A_16 = %scan3A to %scan3A_9 step %scan3A_10 iter_args(%scan3A_17 = %broadcast_in_dim3A_7) -> (vector<512x104xi32>)  : i32 {
      %get3A_18 = arith.constant 0 : index
      %get3A_19 = arith.constant 0 : index
      %get3A_20 = vector.load %arg4[%get3A_18, %get3A_19] : memref<512x1664xf32, #tpu.memory_space<vmem>>, vector<512x1664xf32>
      %reduce_max3A = arith.constant dense<0xFF800000> : vector<512xf32>
      %reduce_max3A_21 = vector.multi_reduction <maximumf>, %get3A_20, %reduce_max3A [1] : vector<512x1664xf32> to vector<512xf32>
      %broadcast_in_dim3A_22 = vector.shape_cast %reduce_max3A_21 : vector<512xf32> to vector<512x1xf32>
      %eq3A = vector.broadcast %broadcast_in_dim3A_22 : vector<512x1xf32> to vector<512x1664xf32>
      %eq3A_23 = arith.cmpf oeq, %get3A_20, %eq3A : vector<512x1664xf32>
      %jit3A = arith.constant 1073741824 : i32
      %broadcast_in_dim3A_24 = vector.broadcast %jit3A : i32 to vector<512x1664xi32>
      %select_n3A = arith.select %eq3A_23, %get3A_6, %broadcast_in_dim3A_24 : vector<512x1664xi1>, vector<512x1664xi32>
      %reduce_min3A = arith.constant dense<2147483647> : vector<512xi32>
      %reduce_min3A_25 = vector.multi_reduction <minsi>, %select_n3A, %reduce_min3A [1] : vector<512x1664xi32> to vector<512xi32>
      %broadcast_in_dim3A_26 = vector.shape_cast %reduce_min3A_25 : vector<512xi32> to vector<512x1xi32>
      %eq3A_27 = vector.broadcast %broadcast_in_dim3A_22 : vector<512x1xf32> to vector<512x1664xf32>
      %eq3A_28 = arith.cmpf oeq, %get3A_20, %eq3A_27 : vector<512x1664xf32>
      %eq3A_29 = vector.broadcast %broadcast_in_dim3A_26 : vector<512x1xi32> to vector<512x1664xi32>
      %eq3A_30 = arith.cmpi eq, %get3A_6, %eq3A_29 : vector<512x1664xi32>
      %and3A = arith.andi %eq3A_28, %eq3A_30 : vector<512x1664xi1>
      %jit3A_31 = arith.constant 0xFF800000 : f32
      %broadcast_in_dim3A_32 = vector.broadcast %jit3A_31 : f32 to vector<512x1664xf32>
      %select_n3A_33 = arith.select %and3A, %broadcast_in_dim3A_32, %get3A_20 : vector<512x1664xi1>, vector<512x1664xf32>
      %swap3A_34 = arith.constant 0 : index
      %swap3A_35 = arith.constant 0 : index
      %swap3A_36 = vector.load %arg4[%swap3A_34, %swap3A_35] : memref<512x1664xf32, #tpu.memory_space<vmem>>, vector<512x1664xf32>
      tpu.vector_store %arg4[%swap3A_34, %swap3A_35], %select_n3A_33 {strides = array<i32>} : memref<512x1664xf32, #tpu.memory_space<vmem>>, vector<512x1664xf32>,
      %iota3A = tpu.iota {dimensions = array<i32: 1>} : vector<512x104xi32>
      %eq3A_37 = vector.broadcast %scan3A_16 : i32 to vector<512x104xi32>
      %eq3A_38 = arith.cmpi eq, %iota3A, %eq3A_37 : vector<512x104xi32>
      %broadcast_in_dim3A_39 = vector.shape_cast %broadcast_in_dim3A_26 : vector<512x1xi32> to vector<512x1xi32>
      %broadcast_in_dim3A_40 = vector.broadcast %broadcast_in_dim3A_39 : vector<512x1xi32> to vector<512x104xi32>
      %select_n3A_41 = arith.select %eq3A_38, %broadcast_in_dim3A_40, %scan3A_17 : vector<512x104xi1>, vector<512x104xi32>
      scf.yield %select_n3A_41 : vector<512x104xi32>
    }
    %scan3A_12 = arith.constant 104 : i32
    %swap3A_13 = arith.constant 0 : index
    %swap3A_14 = arith.constant 0 : index
    %swap3A_15 = vector.load %arg3[%swap3A_13, %swap3A_14] : memref<512x104xi32, #tpu.memory_space<vmem>>, vector<512x104xi32>
    tpu.vector_store %arg3[%swap3A_13, %swap3A_14], %scan3A_11 {strides = array<i32>} : memref<512x104xi32, #tpu.memory_space<vmem>>, vector<512x104xi32>,
    return
  }
  func.func @transform_0(%arg0: i32) -> (i32, i32) {
    %c0_i32 = arith.constant 0 : i32
    %c0_i32_0 = arith.constant 0 : i32
    return %arg0, %c0_i32 : i32, i32
  }
  func.func @transform_1(%arg0: i32) -> (i32, i32) {
    %c0_i32 = arith.constant 0 : i32
    %c0_i32_0 = arith.constant 0 : i32
    return %arg0, %c0_i32 : i32, i32
  }
  func.func @transform_2(%arg0: i32) -> (i32, i32) {
    %c0_i32 = arith.constant 0 : i32
    %c0_i32_0 = arith.constant 0 : i32
    return %arg0, %c0_i32 : i32, i32
  }
}

module attributes {stable_mosaic.version = 14 : i64} {
  func.func @_extract_cand_body(%arg0: i32, %arg1: memref<512x1664xf32, #tpu.memory_space<vmem>>, %arg2: memref<512x1664xi32, #tpu.memory_space<vmem>>, %arg3: memref<512x100xi32, #tpu.memory_space<vmem>>, %arg4: memref<512x100xf32, #tpu.memory_space<vmem>>, %arg5: memref<512x1664xf32, #tpu.memory_space<vmem>>) attributes {dimension_semantics = [#tpu.dimension_semantics<parallel>], iteration_bounds = array<i64: 2>, scalar_prefetch = 0 : i64, scratch_operands = 1 : i64, tpu.core_type = #tpu.core_type<tc>, window_params = [{transform_indices = @transform_0, window_bounds = array<i64: 512, 1664>}, {transform_indices = @transform_1, window_bounds = array<i64: 512, 1664>}, {transform_indices = @transform_2, window_bounds = array<i64: 512, 100>}, {transform_indices = @transform_3, window_bounds = array<i64: 512, 100>}]} {
    %get3A = arith.constant 0 : index
    %get3A_0 = arith.constant 0 : index
    %get3A_1 = vector.load %arg1[%get3A, %get3A_0] : memref<512x1664xf32, #tpu.memory_space<vmem>>, vector<512x1664xf32>
    %swap3A = arith.constant 0 : index
    %swap3A_2 = arith.constant 0 : index
    %swap3A_3 = vector.load %arg5[%swap3A, %swap3A_2] : memref<512x1664xf32, #tpu.memory_space<vmem>>, vector<512x1664xf32>
    tpu.vector_store %arg5[%swap3A, %swap3A_2], %get3A_1 {strides = array<i32>} : memref<512x1664xf32, #tpu.memory_space<vmem>>, vector<512x1664xf32>,
    %get3A_4 = arith.constant 0 : index
    %get3A_5 = arith.constant 0 : index
    %get3A_6 = vector.load %arg2[%get3A_4, %get3A_5] : memref<512x1664xi32, #tpu.memory_space<vmem>>, vector<512x1664xi32>
    %broadcast_in_dim3A = arith.constant 0 : i32
    %broadcast_in_dim3A_7 = vector.broadcast %broadcast_in_dim3A : i32 to vector<512x100xi32>
    %broadcast_in_dim3A_8 = arith.constant 0.000000e+00 : f32
    %broadcast_in_dim3A_9 = vector.broadcast %broadcast_in_dim3A_8 : f32 to vector<512x100xf32>
    %scan3A = arith.constant 0 : i32
    %scan3A_10 = arith.constant 100 : i32
    %scan3A_11 = arith.addi %scan3A, %scan3A_10 : i32
    %scan3A_12 = arith.constant 1 : i32
    %scan3A_13:2 = scf.for %scan3A_21 = %scan3A to %scan3A_11 step %scan3A_12 iter_args(%scan3A_22 = %broadcast_in_dim3A_7, %scan3A_23 = %broadcast_in_dim3A_9) -> (vector<512x100xi32>, vector<512x100xf32>)  : i32 {
      %get3A_24 = arith.constant 0 : index
      %get3A_25 = arith.constant 0 : index
      %get3A_26 = vector.load %arg5[%get3A_24, %get3A_25] : memref<512x1664xf32, #tpu.memory_space<vmem>>, vector<512x1664xf32>
      %reduce_max3A = arith.constant dense<0xFF800000> : vector<512xf32>
      %reduce_max3A_27 = vector.multi_reduction <maximumf>, %get3A_26, %reduce_max3A [1] : vector<512x1664xf32> to vector<512xf32>
      %broadcast_in_dim3A_28 = vector.shape_cast %reduce_max3A_27 : vector<512xf32> to vector<512x1xf32>
      %eq3A = vector.broadcast %broadcast_in_dim3A_28 : vector<512x1xf32> to vector<512x1664xf32>
      %eq3A_29 = arith.cmpf oeq, %get3A_26, %eq3A : vector<512x1664xf32>
      %jit3A = arith.constant 1073741824 : i32
      %broadcast_in_dim3A_30 = vector.broadcast %jit3A : i32 to vector<512x1664xi32>
      %select_n3A = arith.select %eq3A_29, %get3A_6, %broadcast_in_dim3A_30 : vector<512x1664xi1>, vector<512x1664xi32>
      %reduce_min3A = arith.constant dense<2147483647> : vector<512xi32>
      %reduce_min3A_31 = vector.multi_reduction <minsi>, %select_n3A, %reduce_min3A [1] : vector<512x1664xi32> to vector<512xi32>
      %broadcast_in_dim3A_32 = vector.shape_cast %reduce_min3A_31 : vector<512xi32> to vector<512x1xi32>
      %eq3A_33 = vector.broadcast %broadcast_in_dim3A_28 : vector<512x1xf32> to vector<512x1664xf32>
      %eq3A_34 = arith.cmpf oeq, %get3A_26, %eq3A_33 : vector<512x1664xf32>
      %eq3A_35 = vector.broadcast %broadcast_in_dim3A_32 : vector<512x1xi32> to vector<512x1664xi32>
      %eq3A_36 = arith.cmpi eq, %get3A_6, %eq3A_35 : vector<512x1664xi32>
      %and3A = arith.andi %eq3A_34, %eq3A_36 : vector<512x1664xi1>
      %jit3A_37 = arith.constant 0xFF800000 : f32
      %broadcast_in_dim3A_38 = vector.broadcast %jit3A_37 : f32 to vector<512x1664xf32>
      %select_n3A_39 = arith.select %and3A, %broadcast_in_dim3A_38, %get3A_26 : vector<512x1664xi1>, vector<512x1664xf32>
      %swap3A_40 = arith.constant 0 : index
      %swap3A_41 = arith.constant 0 : index
      %swap3A_42 = vector.load %arg5[%swap3A_40, %swap3A_41] : memref<512x1664xf32, #tpu.memory_space<vmem>>, vector<512x1664xf32>
      tpu.vector_store %arg5[%swap3A_40, %swap3A_41], %select_n3A_39 {strides = array<i32>} : memref<512x1664xf32, #tpu.memory_space<vmem>>, vector<512x1664xf32>,
      %iota3A = tpu.iota {dimensions = array<i32: 1>} : vector<512x100xi32>
      %eq3A_43 = vector.broadcast %scan3A_21 : i32 to vector<512x100xi32>
      %eq3A_44 = arith.cmpi eq, %iota3A, %eq3A_43 : vector<512x100xi32>
      %broadcast_in_dim3A_45 = vector.shape_cast %broadcast_in_dim3A_32 : vector<512x1xi32> to vector<512x1xi32>
      %broadcast_in_dim3A_46 = vector.broadcast %broadcast_in_dim3A_45 : vector<512x1xi32> to vector<512x100xi32>
      %select_n3A_47 = arith.select %eq3A_44, %broadcast_in_dim3A_46, %scan3A_22 : vector<512x100xi1>, vector<512x100xi32>
      %eq3A_48 = vector.broadcast %scan3A_21 : i32 to vector<512x100xi32>
      %eq3A_49 = arith.cmpi eq, %iota3A, %eq3A_48 : vector<512x100xi32>
      %broadcast_in_dim3A_50 = vector.shape_cast %broadcast_in_dim3A_28 : vector<512x1xf32> to vector<512x1xf32>
      %broadcast_in_dim3A_51 = vector.broadcast %broadcast_in_dim3A_50 : vector<512x1xf32> to vector<512x100xf32>
      %select_n3A_52 = arith.select %eq3A_49, %broadcast_in_dim3A_51, %scan3A_23 : vector<512x100xi1>, vector<512x100xf32>
      scf.yield %select_n3A_47, %select_n3A_52 : vector<512x100xi32>, vector<512x100xf32>
    }
    %scan3A_14 = arith.constant 100 : i32
    %swap3A_15 = arith.constant 0 : index
    %swap3A_16 = arith.constant 0 : index
    %swap3A_17 = vector.load %arg3[%swap3A_15, %swap3A_16] : memref<512x100xi32, #tpu.memory_space<vmem>>, vector<512x100xi32>
    tpu.vector_store %arg3[%swap3A_15, %swap3A_16], %scan3A_13#0 {strides = array<i32>} : memref<512x100xi32, #tpu.memory_space<vmem>>, vector<512x100xi32>,
    %swap3A_18 = arith.constant 0 : index
    %swap3A_19 = arith.constant 0 : index
    %swap3A_20 = vector.load %arg4[%swap3A_18, %swap3A_19] : memref<512x100xf32, #tpu.memory_space<vmem>>, vector<512x100xf32>
    tpu.vector_store %arg4[%swap3A_18, %swap3A_19], %scan3A_13#1 {strides = array<i32>} : memref<512x100xf32, #tpu.memory_space<vmem>>, vector<512x100xf32>,
    return
  }
  func.func @transform_0(%arg0: i32) -> (i32, i32) {
    %c0_i32 = arith.constant 0 : i32
    %c0_i32_0 = arith.constant 0 : i32
    return %arg0, %c0_i32 : i32, i32
  }
  func.func @transform_1(%arg0: i32) -> (i32, i32) {
    %c0_i32 = arith.constant 0 : i32
    %c0_i32_0 = arith.constant 0 : i32
    return %arg0, %c0_i32 : i32, i32
  }
  func.func @transform_2(%arg0: i32) -> (i32, i32) {
    %c0_i32 = arith.constant 0 : i32
    %c0_i32_0 = arith.constant 0 : i32
    return %arg0, %c0_i32 : i32, i32
  }
  func.func @transform_3(%arg0: i32) -> (i32, i32) {
    %c0_i32 = arith.constant 0 : i32
    %c0_i32_0 = arith.constant 0 : i32
    return %arg0, %c0_i32 : i32, i32
  }
}

</mosaic_0001>

<sc_bundles>
// kernel: gather_offload_async_start
scs
__scs_entry_jumppad:
0x0: {  	(pc) =	sbr.rel $0x88, $3  }
0x1: {  	(tag) =	ssettag $0x0;
	lr =	simm.s32 $0x1  }
0x2: {  	[smem:$0x3F9B] =	sst lr;
	_ =	strace $0xD0000000  }
0x3: {  	_ = 	snop  }
0x4: {  	_ = 	snop  }
0x5: {  	_ = 	snop  }
0x6: {  	_ = 	snop  }
0x7: {  	_ = 	snop  }
__scs_overlays_trampoline_lowered:
0x8: {  	[smem:$0x3FAA] =	sst s0  }
0x9: {  	[smem:$0x3FAB] =	sst s1  }
0xa: {  	[smem:$0x3FAC] =	sst s2  }
0xb: {  	[smem:$0x3FAD] =	sst s3  }
0xc: {  	[smem:$0x3FAE] =	sst s4  }
0xd: {  	[smem:$0x3FAF] =	sst s5  }
0xe: {  	[smem:$0x3FB0] =	sst s6  }
0xf: {  	[smem:$0x3FB1] =	sst s7  }
0x10: {  	[smem:$0x3FB2] =	sst s8  }
0x11: {  	[smem:$0x3FB3] =	sst s9;
	s0 =	simm.s32 @!p0 $0x0  }
0x12: {  	s1 =	sld [smem:$0x3F99];
	s0 =	simm.s32 @p0 $0x1  }
0x13: {  	[smem:$0x3FB4] =	sst s0;
	s0 =	simm.s32 @!p1 $0x0  }
0x14: {  	s2 =	sld [smem:$0x3F98];
	s0 =	simm.s32 @p1 $0x1  }
0x15: {  	[smem:$0x3FB5] =	sst s0;
	s0 =	simm.s32 @!p2 $0x0  }
0x16: {  	s3 =	sld [smem:$0x3FDB];
	s0 =	simm.s32 @p2 $0x1  }
0x17: {  	s4 =	simm.s32 $0x1BF5;
	[smem:$0x3FB7] =	sst s0  }
0x18: {  	s0 =	sld [smem:$0x3F9A];
	_ =	swait.ge [sflag:s4], $0x0  }
0x19: {  	s7 =	sld [smem:$0x3F9B]  }
0x1a: {  	s8 =	sadd.s32 $0xFFFFE003, lr  }
0x1b: {  	s9 =	sadd.s32 $0xFFFFFEF7, lr;
	s5 =	simm.s32 $0xFFFFFFFF;
	p2 =	slt.u32 s8, $0xFFFFF086  }
0x1c: {  	p1 =	slt.u32 s9, $0xF7A;
	s5 =	simm.s32 @!p2 $0x0  }
0x1d: {  	s5 =	simm.s32 @p1 $0x1;
	p0 =	seq.s32 s7, s2  }
0x1e: {  	s7 =	smul.u32 @!p0 $0xF7A, s2;
	p2 =	seq.s32 @!p0 s5, $0x0  }
0x1f: {  	s9 =	smul.u32 $0xF7A, s1;
	s8 =	simm.s32 @!p0 $0x1BF5;
	p2 =	por !p2, p0  }
0x20: {  	[sflag:s8] =	ssyncset.s32 @!p0 $0xFFFFF086;
	s6 =	sadd.s32 @!p0 s3, s7;
	s7 =	simm.s32 @!p0 $0x108  }
0x21: {  	s3 =	sadd.s32 s3, s9;
	s6 =	sadd.s32 @!p0 $0x88, s6;
	s7 =	simm.s32 @p2 $0x1082  }
0x22: {  	[simem:s7], [sflag:s8] =	dma.local @!p0 [hbm:s6], $0xF7A  }
0x23: {  	s9 =	sor.u32 $0xD0000000, s2;
	s6 =	simm.s32 $0x108;
	_ =	swait.ge @!p0 [sflag:s8], $0x0  }
0x24: {  	s3 =	sadd.s32 $0x88, s3;
	s6 =	simm.s32 @!p1 $0x1082;
	[sflag:s4] =	ssyncset.s32 $0xFFFFF086  }
0x25: {  	[simem:s6], [sflag:s4] =	dma.local [hbm:s3], $0xF7A  }
0x26: {  	[smem:$0x3F9B] =	sst s1;
	(tag) =	ssettag s2;
	_ =	strace s9  }
0x27: {  	s1 =	sld [smem:$0x3FAB]  }
0x28: {  	s2 =	sld [smem:$0x3FAC]  }
0x29: {  	s4 =	sld [smem:$0x3FAE]  }
0x2a: {  	p0 =	seq.s32 s5, $0x0;
	s5 =	sld [smem:$0x3FAF]  }
0x2b: {  	s6 =	sld [smem:$0x3FB0]  }
0x2c: {  	s7 =	sld [smem:$0x3FB1]  }
0x2d: {  	s3 =	simm.s32 $0x108;
	s8 =	sld [smem:$0x3FB2]  }
0x2e: {  	s3 =	simm.s32 @!p0 $0x1082;
	s9 =	sld [smem:$0x3FB3]  }
0x2f: {  	lr =	sadd.s32 s0, s3;
	s0 =	sld [smem:$0x3FAA]  }
0x30: {  	s3 =	sld [smem:$0x3FAD]  }
0x31: {  	[smem:$0x3FB6] =	sst s10  }
0x32: {  	s10 =	sld [smem:$0x3FB4];
	_ =	sdelay $0x3  }
0x33: {  	p0 =	seq.s32 s10, $0x1;
	s10 =	sld [smem:$0x3FB6];
	_ =	sdelay $0x3  }
0x34: {  	[smem:$0x3FB6] =	sst s10  }
0x35: {  	s10 =	sld [smem:$0x3FB5];
	_ =	sdelay $0x3  }
0x36: {  	p1 =	seq.s32 s10, $0x1;
	s10 =	sld [smem:$0x3FB6];
	_ =	sdelay $0x3  }
0x37: {  	[smem:$0x3FB6] =	sst s10  }
0x38: {  	s10 =	sld [smem:$0x3FB7]  }
0x39: {  	_ = 	snop;
	(pc) =	sbr.ind lr, $3  }
0x3a: {  	_ = 	snop  }
0x3b: {  	_ = 	snop  }
0x3c: {  	p2 =	seq.s32 s10, $0x1;
	s10 =	sld [smem:$0x3FB6]  }
0x3d: {  	_ =	shalt  }
0x3e: {  	_ =	shalt  }
0x3f: {  	_ =	shalt  }
0x40: {  	_ =	shalt  }
0x41: {  	_ =	shalt  }
0x42: {  	_ =	shalt  }
0x43: {  	_ =	shalt  }
0x44: {  	_ =	shalt  }
0x45: {  	_ =	shalt  }
0x46: {  	_ =	shalt  }
0x47: {  	_ =	shalt  }
0x48: {  	_ =	shalt  }
0x49: {  	_ =	shalt  }
0x4a: {  	_ =	shalt  }
0x4b: {  	_ =	shalt  }
0x4c: {  	_ =	shalt  }
0x4d: {  	_ =	shalt  }
0x4e: {  	_ =	shalt  }
0x4f: {  	_ =	shalt  }
0x50: {  	_ =	shalt  }
0x51: {  	_ =	shalt  }
0x52: {  	_ =	shalt  }
0x53: {  	_ =	shalt  }
0x54: {  	_ =	shalt  }
0x55: {  	_ =	shalt  }
0x56: {  	_ =	shalt  }
0x57: {  	_ =	shalt  }
0x58: {  	_ =	shalt  }
0x59: {  	_ =	shalt  }
0x5a: {  	_ =	shalt  }
0x5b: {  	_ =	shalt  }
0x5c: {  	_ =	shalt  }
0x5d: {  	_ =	shalt  }
0x5e: {  	_ =	shalt  }
0x5f: {  	_ =	shalt  }
0x60: {  	_ =	shalt  }
0x61: {  	_ =	shalt  }
0x62: {  	_ =	shalt  }
0x63: {  	_ =	shalt  }
0x64: {  	_ =	shalt  }
0x65: {  	_ =	shalt  }
0x66: {  	_ =	shalt  }
0x67: {  	_ =	shalt  }
0x68: {  	_ =	shalt  }
0x69: {  	_ =	shalt  }
0x6a: {  	_ =	shalt  }
0x6b: {  	_ =	shalt  }
0x6c: {  	_ =	shalt  }
0x6d: {  	_ =	shalt  }
0x6e: {  	_ =	shalt  }
0x6f: {  	_ =	shalt  }
0x70: {  	_ =	shalt  }
0x71: {  	_ =	shalt  }
0x72: {  	_ =	shalt  }
0x73: {  	_ =	shalt  }
0x74: {  	_ =	shalt  }
0x75: {  	_ =	shalt  }
0x76: {  	_ =	shalt  }
0x77: {  	_ =	shalt  }
0x78: {  	_ =	shalt  }
0x79: {  	_ =	shalt  }
0x7a: {  	_ =	shalt  }
0x7b: {  	_ =	shalt  }
0x7c: {  	_ =	shalt  }
0x7d: {  	_ =	shalt  }
0x7e: {  	_ =	shalt  }
0x7f: {  	_ =	shalt  }
0x80: {  	_ =	shalt  }
0x81: {  	_ =	shalt  }
0x82: {  	_ =	shalt  }
0x83: {  	_ =	shalt  }
0x84: {  	_ =	shalt  }
0x85: {  	_ =	shalt  }
0x86: {  	_ =	shalt  }
0x87: {  	_ =	shalt  }
.Lfunc_end0:
.L_simem_size_0:
called_computation_lowered:
.L_overlay_start_0:
0x88: {  	s2 =	sld [smem:$0x3FD9]  }
0x89: {  	s3 =	sld [smem:$0x3FFE];
	_ =	sdelay $0x1  }
0x8a: {  	s1 =	srdreg.scid  }
0x8b: {  	s0 =	sand.u32 $0x1, s1  }
0x8c: {  	s16 =	sshll.u32 s0, $0xA;
	s2 =	sadd.s32 s3, s2  }
0x8d: {  	s2 =	sadd.s32 s2, s16  }
0x8e: {  	[smem:$0x3FC2] =	sst s2  }
0x8f: {  	_ = 	snop  }
0x90: {  	(tm) =	ssettm $0x1  }
0x91: {  	s17 =	sld [smem:$0x3FFB];
	_ =	sdelay $0x3  }
0x92: {  	_ =	strace s17  }
0x93: {  	s2 =	sld [smem:$0x3FFC];
	_ =	sdelay $0x3  }
0x94: {  	_ =	strace s2  }
0x95: {  	s2 =	sld [smem:$0x3FFD];
	_ =	sdelay $0x3  }
0x96: {  	_ =	strace s2  }
0x97: {  	_ =	strace $0x8FFFFFFF  }
0x98: {  	s18 =	sld [smem:$0x3FDB];
	_ =	sdelay $0x1  }
0x99: {  	s19 =	simm.s32 $_scs_section_size  }
0x9a: {  	s4 =	simm.s32 $_size__tile_overlayer_lowered;
	s5 =	simm.s32 $_tile_overlayer_lowered  }
0x9b: {  	s22 =	simm.s32 $0x1BFF;
	s21 =	sshll.u32 s5, $0x1;
	s2 =	sadd.s32 s19, s18  }
0x9c: {  	s6 =	simm.s32 $0x0;
	s20 =	sshll.u32 s4, $0x1;
	s4 =	sadd.s32 s21, s2  }
0x9d: {  	[timem:s6], [sflag:s22] =	dma.local [hbm:s4], s20  }
0x9e: {  	_ =	swait.ge [sflag:s22], s20  }
0x9f: {  	s3 =	ssub.s32 $0x0, s20;
	[sflag:s22] =	ssyncset.done $0x0  }
0xa0: {  	[sflag:s22] =	ssyncadd.s32 s3;
	_ =	sdelay $0x1  }
0xa1: {  	s23 =	simm.s32 $0x1B8B  }
0xa2: {  	_ =	swait.ge [sflag:s23], $0x1  }
0xa3: {  	[sflag:s23] =	ssyncset.done $0x0  }
0xa4: {  	s25 =	simm.s32 $0x1B8E;
	s24 =	sld [smem:$0x3FFE];
	[sflag:s23] =	ssyncadd.s32 $0xFFFFFFFF  }
0xa5: {  	s26 =	simm.s32 $execute0_lowered;
	[smem:$0x3FD2] =	sst s25  }
0xa6: {  	s4 =	sshll.u32 s26, $0x1;
	_ =	strace $0x80000049;
	[dreg:$0x1] =	wrdreg $0xFFFFFFFF  }
0xa7: {  	s28 =	simm.s32 $_size_execute0_lowered;
	s2 =	sadd.s32 s2, s4;
	[dreg:$0x0] =	wrdreg $0x0  }
0xa8: {  	s4 =	sshll.u32 s28, $0x1;
	[dreg:$0x2] =	wrdreg s2  }
0xa9: {  	[dreg:$0x3] =	wrdreg s4  }
0xaa: {  	[dreg:$0x4] =	wrdreg $0xC0  }
0xab: {  	_ =	task [dreg:s6], $0x5FFFF  }
0xac: {  	[dreg:$0x1] =	wrdreg $0xFFFFFFFF  }
0xad: {  	[dreg:$0x0] =	wrdreg $0x60  }
0xae: {  	[dreg:$0x2] =	wrdreg s24  }
0xaf: {  	[dreg:$0x3] =	wrdreg $0x9  }
0xb0: {  	_ =	task.clear_ibuf [dreg:s6], $0x4FFFF;
	_ =	strace $0x90000049  }
0xb1: {  	s29 =	simm.s32 $0x9;
	_ =	strace $0x8000004B  }
0xb2: {  	_ =	swait.ge [sflag:s29], $0x1  }
0xb3: {  	[sflag:s29] =	ssyncadd.s32 $0xFFFFFFFF  }
0xb4: {  	_ =	strace $0x9000004B  }
0xb5: {  	_ =	sfence  }
0xb6: {  	s30 =	sld [smem:$0x0];
	_ =	sdelay $0x2  }
0xb7: {  	s31 =	sshll.u32 s1, $0xD;
	s1 =	sshrl.u32 s1, $0x2  }
0xb8: {  	s3 =	sand.u32 $0x4000, s31;
	s1 =	sadd.s32 s1, s30  }
0xb9: {  	s0 =	sor.u32 s3, s0;
	s1 =	sshll.u32 s1, $0x11  }
0xba: {  	s0 =	sor.u32 s1, s0  }
0xbb: {  	s0 =	sadd.s32 $0x8F2B, s0  }
0xbc: {  	[sflag:s0] =	ssyncadd.remote.s32 $0x1  }
0xbd: {  	_ =	sfence.sel $0xFFFF  }
0xbe: {  	[dreg:$0x0] =	wrdreg $0xFFFFFFFF;
	(pc) =	sbr.abs _section_cstart, $3  }
0xbf: {  	[dreg:$0x1] =	wrdreg $0xFFFFFFFF  }
0xc0: {  	_ =	task.clear_ibuf [dreg:s6], $0x2FFFF;
	_ =	strace $0x9FFFFFFF  }
0xc1: {  	(tm) =	ssettm $0x7FFFFFFF  }
tec
execute0_lowered:
.L_overlay_start_1:
0x0: {  	(tag) =	ssettag $0x1  }
0x1: {  	s0 =	srdreg.scid;
	s5 =	rddreg [dreg:$0x0]  }
0x2: {  	s1 =	stileid.u32;
	s6 =	simm.s32 $0x1;
	s9 =	simm.s32 $0x1  }
0x3: {  	s10 =	simm.s32 $0x3;
	s13 =	simm.s32 $0x0;
	s2 =	sshll.u32 s0, $0xF  }
0x4: {  	s12 =	simm.s32 $0x0;
	s3 =	sshll.u32 s1, $0x10;
	s2 =	sand.u32 $0x8000, s2  }
0x5: {  	s0 =	rddreg [dreg:$0x1];
	_ =	strace $0x8000004A;
	s2 =	sor.u32 s3, s2  }
0x6: {  	s4 =	sadd.s32 $0x2400, s5;
	[sflag:s6] =	ssyncpa.u1 $0x0;
	s8 =	ssub.s32 $0x1A0000, s2  }
.Ltmp0:
0x7: {  	s3 =	sadd.s32 $0x61F800, s5;
	s7 =	sand.u32 $0xF8000, s8;
	(pc) =	sbr.rel .LBB2_1-.Ltmp0, $4  }
0x8: {  	s5 =	sadd.s32 $0x6A400, s5;
	s11 =	smov.u32 s2;
	p0 =	sne.s32 s7, $0x0  }
0x9: {  	s8 =	sshrl.u32 s8, $0x14;
	s7 =	simm.s32 $0x2;
	s9 =	simm.s32 @!p0 $0x0  }
0xa: {  	[sflag:s7] =	ssyncpa.u1 $0x0;
	p0 =	por $0x0, $0x0;
	s8 =	sadd.s32 s9, s8  }
0xb: {  	vm0 =	vmmov $0xffff;
	[sflag:s10] =	ssyncpa.u1 $0x0;
	s10 =	simm.s32 $0x0;
	s9 =	sadd.s32 $0x1, s8  }
.LBB2_4:
0xc: {  	vm1 =	veq.s32 v4, $0x80000000;
	v55 =	vand.u32 $0x3FF, v4;
	v6 =	vand.u32 $0x1FFFF, v6  }
0xd: {  	v2 =	vor.u32 v2, v5;
	v58 =	vshrl.u32 v1, $0xA;
	v59 =	vand.u32 $0x3FF, v1  }
0xe: {  	v4 =	vsel vm1, $0xFFFFFFFF, v55;
	v6 =	vsel vm1, $0xFFFFFFFF, v6;
	v2 =	vor.u32 v3, v2  }
0xf: {  	vm1 =	veq.s32 v1, $0x80000000;
	v5 =	vand.u32 $0x1FFFF, v58;
	v7 =	vshrl.u32 v4, $0x3  }
0x10: {  	v56 =	vshll.u32 v6, $0x3;
	v4 =	vshll.u32 v4, $0x7;
	v1 =	vsel vm1, $0xFFFFFFFF, v59  }
0x11: {  	v5 =	vsel vm1, $0xFFFFFFFF, v5;
	v6 =	vand.u32 $0x7F, v6;
	v7 =	vmul.u32 $0xC4000, v7  }
0x12: {  	v57 =	vand.u32 $0xFFFFFC00, v56;
	v4 =	vand.u32 $0x380, v4;
	v60 =	vshrl.u32 v1, $0x3  }
0x13: {  	v61 =	vshll.u32 v5, $0x3;
	v3 =	vadd.s32 v7, v57;
	v7 =	vmul.u32 $0xC4000, v60  }
0x14: {  	v1 =	vshll.u32 v1, $0x7;
	v3 =	vor.u32 v4, v3;
	v4 =	vand.u32 $0xFFFFFC00, v61  }
0x15: {  	v1 =	vand.u32 $0x380, v1;
	v3 =	vor.u32 v6, v3;
	v4 =	vadd.s32 v7, v4  }
0x16: {  	[tilespmem:s16], [sflag:$0x1] =	stream.indirect_vreg.gather [hbm4b:s3+s10], $0x1, v0, vm0, $0x4038;
	v62 =	vand.u32 $0x7F, v5;
	v1 =	vor.u32 v1, v4;
	v63 =	vld [tilespmem:$0x0]  }
0x17: {  	s15 =	sadd.s32 $0x10, s15;
	(ifvalue) =	ssetifvalue $0x7FFFFFFF;
	v0 =	vor.u32 v62, v1  }
0x18: {  	[tilespmem:s15], [sflag:$0x1] =	stream.indirect_vreg.gather [hbm4b:s3+s10], $0x1, v2, vm0, $0x4038;
	v63 =	vld [tilespmem:$0x0]  }
0x19: {  	s15 =	sadd.s32 $0x10, s15;
	(ifvalue) =	ssetifvalue $0x7FFFFFFF  }
0x1a: {  	[tilespmem:s15], [sflag:$0x1] =	stream.indirect_vreg.gather [hbm4b:s3+s10], $0x1, v3, vm0, $0x4038;
	v63 =	vld [tilespmem:$0x0]  }
0x1b: {  	s15 =	sadd.s32 $0x10, s15;
	(ifvalue) =	ssetifvalue $0x7FFFFFFF  }
0x1c: {  	[tilespmem:s15], [sflag:$0x1] =	stream.indirect_vreg.gather [hbm4b:s3+s10], $0x1, v0, vm0, $0x4038;
	v63 =	vld [tilespmem:$0x0]  }
0x1d: {  	_ =	swait.ge [sflag:s6], $0x8000  }
0x1e: {  	s30 =	sshrl.u32 s13, $0x3;
	[sflag:s6] =	ssyncset.done $0x0  }
0x1f: {  	s31 =	sand.u32 $0x7, s13;
	s15 =	sadd.s32 s5, s30;
	[sflag:s6] =	ssyncadd.s32 $0xFFFF8000  }
0x20: {  	[hbm4b:s15+s31] =	stream.linear.scatter [tilespmem:s14], [sflag:$0x3], $0x8000, $0x38;
	v63 =	vld [tilespmem:$0x0]  }
.LBB2_5:
0x21: {  	s15 =	sadd.s32 $0x100000, s11  }
0x22: {  	p2 =	sgt.s32 s15, $0x19FFFF  }
0x23: {  	s15 =	smov.u32 @p2 s2;
	p2 =	sne.s32 s12, s9  }
.Ltmp1:
0x24: {  	p1 =	slt.u32 s12, $0x2;
	(pc) =	sbr.rel @!p2 .LBB2_6-.Ltmp1, $4  }
0x25: {  	s14 =	simm.s32 @!p1 $0x3  }
0x26: {  	s16 =	sadd.s32 $0x1, s12;
	_ =	swait.ge @!p1 [sflag:s14], $0x8000  }
0x27: {  	s13 =	smov.u32 s11;
	p0 =	por !p0, !p0;
	[sflag:s14] =	ssyncset.done @!p1 $0x0  }
0x28: {  	s12 =	smov.u32 s16;
	s11 =	smov.u32 s15;
	[sflag:s14] =	ssyncadd.s32 @!p1 $0xFFFF8000  }
.LBB2_1:
0x29: {  	p1 =	sge.u32 s12, s8  }
0x2a: {  	s14 =	sxor.u32 @!p1 $0xFFFFFFFF, s12  }
0x2b: {  	s31 =	sadd.s32 $0xFFFFFFFF, s12;
	s15 =	sshrl.u32 @!p1 s11, $0x3;
	s14 =	sshll.u32 @!p1 s14, $0xF  }
0x2c: {  	s16 =	sand.u32 @!p1 $0x7, s11;
	s15 =	sadd.s32 @!p1 s4, s15;
	s14 =	sand.u32 @!p1 $0x8000, s14  }
0x2d: {  	[tilespmem:s14], [sflag:$0x2] =	stream.linear.gather @!p1 [hbm4b:s15+s16], $0x8000, $0x38;
	v63 =	vld [tilespmem:$0x0]  }
0x2e: {  	p1 =	sge.u32 s31, s8  }
.Ltmp2:
0x2f: {  	_ = 	snop;
	(pc) =	sbr.rel @p1 .LBB2_5-.Ltmp2, $1  }
0x30: {  	_ =	sdelay $0x3  }
0x31: {  	s14 =	simm.s32 $0x1  }
0x32: {  	_ =	swait.ge [sflag:s7], $0x8000;
	s14 =	simm.s32 @!p0 $0x0  }
0x33: {  	[sflag:s7] =	ssyncset.done $0x0;
	s14 =	sshll.u32 s14, $0xF  }
0x34: {  	[sflag:s7] =	ssyncadd.s32 $0xFFFF8000;
	(ifvalue) =	ssetifvalue $0x7FFFFFFF;
	v0 =	vld.msk [tilespmem:s14+$0x0 ss:$0x1], $0xffff  }
0x35: {  	s15 =	sadd.s32 $0x10, s14  }
0x36: {  	v1 =	vld.msk [tilespmem:s15+$0x0 ss:$0x1], $0xffff;
	_ =	sdelay $0x2  }
0x37: {  	v2 =	vshrl.u32 v0, $0xA  }
0x38: {  	vm1 =	veq.s32 v0, $0x80000000;
	v0 =	vand.u32 $0x3FF, v0;
	v2 =	vand.u32 $0x1FFFF, v2  }
0x39: {  	v0 =	vsel vm1, $0xFFFFFFFF, v0;
	v6 =	vshrl.u32 v1, $0xA;
	v2 =	vsel vm1, $0xFFFFFFFF, v2  }
0x3a: {  	v3 =	vshrl.u32 v0, $0x3;
	v0 =	vshll.u32 v0, $0x7;
	vm1 =	veq.s32 v1, $0x80000000  }
0x3b: {  	s15 =	sadd.s32 $0x10, s15;
	v1 =	vand.u32 $0x3FF, v1;
	v4 =	vshll.u32 v2, $0x3;
	v3 =	vmul.u32 $0xC4000, v3  }
0x3c: {  	v0 =	vand.u32 $0x380, v0;
	v7 =	vand.u32 $0x7F, v2;
	v5 =	vand.u32 $0xFFFFFC00, v4;
	v4 =	vld.msk [tilespmem:s15+$0x0 ss:$0x1], $0xffff  }
0x3d: {  	v1 =	vsel vm1, $0xFFFFFFFF, v1;
	v2 =	vadd.s32 v3, v5;
	v3 =	vand.u32 $0x1FFFF, v6  }
0x3e: {  	v3 =	vsel vm1, $0xFFFFFFFF, v3;
	v0 =	vor.u32 v0, v2;
	v2 =	vshrl.u32 v1, $0x3  }
0x3f: {  	s16 =	sshll.u32 s12, $0xF;
	s18 =	simm.s32 $0x30;
	v1 =	vshll.u32 v1, $0x7;
	v5 =	vshll.u32 v3, $0x3;
	v8 =	vmul.u32 $0xC4000, v2  }
0x40: {  	s31 =	sand.u32 $0x8000, s16;
	s17 =	sadd.s32 $0x10, s15;
	s15 =	sor.u32 $0x10000, s14;
	v2 =	vand.u32 $0x380, v1;
	v0 =	vor.u32 v7, v0;
	v5 =	vand.u32 $0xFFFFFC00, v5  }
0x41: {  	s14 =	sor.u32 $0x10000, s31;
	s16 =	smov.u32 s15;
	v1 =	vld.msk [tilespmem:s17+$0x0 ss:$0x1], $0xffff;
	v3 =	vand.u32 $0x7F, v3;
	(ifvalue) =	ssetifvalue $0x7FFFFFFF;
	v6 =	vshrl.u32 v4, $0xA;
	v5 =	vadd.s32 v8, v5  }
.LBB2_3:
0x42: {  	s18 =	sadd.s32 $0x10, s18  }
0x43: {  	vm1 =	veq.s32 v4, $0x80000000;
	v4 =	vand.u32 $0x3FF, v4;
	v6 =	vand.u32 $0x1FFFF, v6;
	s15 =	sadd.s32 $0x10, s15;
	p1 =	slt.u32 s18, $0x7FF0  }
.Ltmp3:
0x44: {  	v5 =	vor.u32 v2, v5;
	v4 =	vsel vm1, $0xFFFFFFFF, v4;
	v7 =	vsel vm1, $0xFFFFFFFF, v6;
	(pc) =	sbr.rel @p1 .LBB2_3-.Ltmp3, $4  }
0x45: {  	v2 =	vshrl.u32 v4, $0x3;
	v6 =	vshll.u32 v7, $0x3;
	v4 =	vshll.u32 v4, $0x7;
	[tilespmem:s16], [sflag:$0x1] =	stream.indirect_vreg.gather [hbm4b:s3+s10], $0x1, v0, vm0, $0x4038;
	v63 =	vld [tilespmem:$0x0]  }
0x46: {  	v0 =	vor.u32 v3, v5;
	s16 =	smov.u32 s15;
	v8 =	vmul.u32 $0xC4000, v2;
	v2 =	vand.u32 $0x380, v4  }
0x47: {  	s17 =	sadd.s32 $0x10, s17;
	v9 =	vand.u32 $0xFFFFFC00, v6  }
0x48: {  	v3 =	vand.u32 $0x7F, v7;
	v6 =	vshrl.u32 v1, $0xA;
	v5 =	vadd.s32 v8, v9;
	(ifvalue) =	ssetifvalue $0x7FFFFFFF;
	v4 =	vmovc v1;
	v1 =	vld.msk [tilespmem:s17+$0x0 ss:$0x1], $0xffff  }
.Ltmp4:
0x49: {  	_ = 	snop;
	(pc) =	sbr.rel .LBB2_4-.Ltmp4, $1  }
0x4a: {  	_ =	sdelay $0x3  }
.LBB2_6:
0x4b: {  	_ =	sfence.sel $0x180000  }
0x4c: {  	s2 =	simm.s32 $0x2;
	[bflag:$0x0] =	sbarrier.arrive $0xFFFF  }
0x4d: {  	s30 =	simm.s32 $0x3;
	[sflag:s2] =	ssyncpa.u1 $0x1  }
0x4e: {  	s31 =	simm.s32 $0x1;
	[sflag:s30] =	ssyncpa.u1 $0x1  }
0x4f: {  	[sflag:s31] =	ssyncpa.u1 $0x1  }
0x50: {  	p0 =	sne.s32 s1, $0x0;
	_ =	strace $0x9000004A  }
0x51: {  	s0 =	sadd.s32 @!p0 $0x100000, s0;
	[bflag:$0x2] =	sbarrier.arrive $0xFFFF  }
0x52: {  	[sflag:s0] =	ssyncadd.tile.s32 @!p0 $0x1;
	_ =	shalt  }
.Lfunc_end2:
_tile_overlayer_lowered:
.L_overlay_start_2:
0x53: {  	(tag) =	ssettag $0x2  }
0x54: {  	s0 =	rddreg [dreg:$0x0];
	s2 =	stileid.u32  }
0x55: {  	s1 =	rddreg [dreg:$0x1];
	p0 =	sne.s32 s2, $0x0  }
0x56: {  	s3 =	rddreg [dreg:$0x2];
	[bflag:$0x3] =	sbarrier.arrive $0xFFFF;
	s2 =	simm.s32 @!p0 $0x1C01  }
0x57: {  	[timem:s3], [sflag:s2] =	dma.local @!p0 [hbm:s0], s1  }
0x58: {  	s0 =	simm.s32 @!p0 $0x1  }
0x59: {  	_ =	swait.ge @!p0 [sflag:s0], s1  }
0x5a: {  	s1 =	ssub.s32 @!p0 $0x0, s1;
	[sflag:s0] =	ssyncset.done @!p0 $0x0  }
0x5b: {  	[sflag:s0] =	ssyncadd.s32 @!p0 s1  }
0x5c: {  	[bflag:$0x3] =	sbarrier.arrive $0xFFFF  }
0x5d: {  	_ =	shalt  }

// kernel: kernel.7.cloned.1.call-start
scs
__scs_entry_jumppad:
0x0: {  	(pc) =	sbr.rel $0x88, $3  }
0x1: {  	(tag) =	ssettag $0x0;
	lr =	simm.s32 $0x1  }
0x2: {  	[smem:$0x3F9B] =	sst lr;
	_ =	strace $0xD0000000  }
0x3: {  	_ = 	snop  }
0x4: {  	_ = 	snop  }
0x5: {  	_ = 	snop  }
0x6: {  	_ = 	snop  }
0x7: {  	_ = 	snop  }
__scs_overlays_trampoline_lowered:
0x8: {  	[smem:$0x3FAA] =	sst s0  }
0x9: {  	[smem:$0x3FAB] =	sst s1  }
0xa: {  	[smem:$0x3FAC] =	sst s2  }
0xb: {  	[smem:$0x3FAD] =	sst s3  }
0xc: {  	[smem:$0x3FAE] =	sst s4  }
0xd: {  	[smem:$0x3FAF] =	sst s5  }
0xe: {  	[smem:$0x3FB0] =	sst s6  }
0xf: {  	[smem:$0x3FB1] =	sst s7  }
0x10: {  	[smem:$0x3FB2] =	sst s8  }
0x11: {  	[smem:$0x3FB3] =	sst s9;
	s0 =	simm.s32 @!p0 $0x0  }
0x12: {  	s1 =	sld [smem:$0x3F99];
	s0 =	simm.s32 @p0 $0x1  }
0x13: {  	[smem:$0x3FB4] =	sst s0;
	s0 =	simm.s32 @!p1 $0x0  }
0x14: {  	s2 =	sld [smem:$0x3F98];
	s0 =	simm.s32 @p1 $0x1  }
0x15: {  	[smem:$0x3FB5] =	sst s0;
	s0 =	simm.s32 @!p2 $0x0  }
0x16: {  	s3 =	sld [smem:$0x3FDB];
	s0 =	simm.s32 @p2 $0x1  }
0x17: {  	s4 =	simm.s32 $0x1BF5;
	[smem:$0x3FB7] =	sst s0  }
0x18: {  	s0 =	sld [smem:$0x3F9A];
	_ =	swait.ge [sflag:s4], $0x0  }
0x19: {  	s7 =	sld [smem:$0x3F9B]  }
0x1a: {  	s8 =	sadd.s32 $0xFFFFE003, lr  }
0x1b: {  	s9 =	sadd.s32 $0xFFFFFEF7, lr;
	s5 =	simm.s32 $0xFFFFFFFF;
	p2 =	slt.u32 s8, $0xFFFFF086  }
0x1c: {  	p1 =	slt.u32 s9, $0xF7A;
	s5 =	simm.s32 @!p2 $0x0  }
0x1d: {  	s5 =	simm.s32 @p1 $0x1;
	p0 =	seq.s32 s7, s2  }
0x1e: {  	s7 =	smul.u32 @!p0 $0xF7A, s2;
	p2 =	seq.s32 @!p0 s5, $0x0  }
0x1f: {  	s9 =	smul.u32 $0xF7A, s1;
	s8 =	simm.s32 @!p0 $0x1BF5;
	p2 =	por !p2, p0  }
0x20: {  	[sflag:s8] =	ssyncset.s32 @!p0 $0xFFFFF086;
	s6 =	sadd.s32 @!p0 s3, s7;
	s7 =	simm.s32 @!p0 $0x108  }
0x21: {  	s3 =	sadd.s32 s3, s9;
	s6 =	sadd.s32 @!p0 $0x88, s6;
	s7 =	simm.s32 @p2 $0x1082  }
0x22: {  	[simem:s7], [sflag:s8] =	dma.local @!p0 [hbm:s6], $0xF7A  }
0x23: {  	s9 =	sor.u32 $0xD0000000, s2;
	s6 =	simm.s32 $0x108;
	_ =	swait.ge @!p0 [sflag:s8], $0x0  }
0x24: {  	s3 =	sadd.s32 $0x88, s3;
	s6 =	simm.s32 @!p1 $0x1082;
	[sflag:s4] =	ssyncset.s32 $0xFFFFF086  }
0x25: {  	[simem:s6], [sflag:s4] =	dma.local [hbm:s3], $0xF7A  }
0x26: {  	[smem:$0x3F9B] =	sst s1;
	(tag) =	ssettag s2;
	_ =	strace s9  }
0x27: {  	s1 =	sld [smem:$0x3FAB]  }
0x28: {  	s2 =	sld [smem:$0x3FAC]  }
0x29: {  	s4 =	sld [smem:$0x3FAE]  }
0x2a: {  	p0 =	seq.s32 s5, $0x0;
	s5 =	sld [smem:$0x3FAF]  }
0x2b: {  	s6 =	sld [smem:$0x3FB0]  }
0x2c: {  	s7 =	sld [smem:$0x3FB1]  }
0x2d: {  	s3 =	simm.s32 $0x108;
	s8 =	sld [smem:$0x3FB2]  }
0x2e: {  	s3 =	simm.s32 @!p0 $0x1082;
	s9 =	sld [smem:$0x3FB3]  }
0x2f: {  	lr =	sadd.s32 s0, s3;
	s0 =	sld [smem:$0x3FAA]  }
0x30: {  	s3 =	sld [smem:$0x3FAD]  }
0x31: {  	[smem:$0x3FB6] =	sst s10  }
0x32: {  	s10 =	sld [smem:$0x3FB4];
	_ =	sdelay $0x3  }
0x33: {  	p0 =	seq.s32 s10, $0x1;
	s10 =	sld [smem:$0x3FB6];
	_ =	sdelay $0x3  }
0x34: {  	[smem:$0x3FB6] =	sst s10  }
0x35: {  	s10 =	sld [smem:$0x3FB5];
	_ =	sdelay $0x3  }
0x36: {  	p1 =	seq.s32 s10, $0x1;
	s10 =	sld [smem:$0x3FB6];
	_ =	sdelay $0x3  }
0x37: {  	[smem:$0x3FB6] =	sst s10  }
0x38: {  	s10 =	sld [smem:$0x3FB7]  }
0x39: {  	_ = 	snop;
	(pc) =	sbr.ind lr, $3  }
0x3a: {  	_ = 	snop  }
0x3b: {  	_ = 	snop  }
0x3c: {  	p2 =	seq.s32 s10, $0x1;
	s10 =	sld [smem:$0x3FB6]  }
0x3d: {  	_ =	shalt  }
0x3e: {  	_ =	shalt  }
0x3f: {  	_ =	shalt  }
0x40: {  	_ =	shalt  }
0x41: {  	_ =	shalt  }
0x42: {  	_ =	shalt  }
0x43: {  	_ =	shalt  }
0x44: {  	_ =	shalt  }
0x45: {  	_ =	shalt  }
0x46: {  	_ =	shalt  }
0x47: {  	_ =	shalt  }
0x48: {  	_ =	shalt  }
0x49: {  	_ =	shalt  }
0x4a: {  	_ =	shalt  }
0x4b: {  	_ =	shalt  }
0x4c: {  	_ =	shalt  }
0x4d: {  	_ =	shalt  }
0x4e: {  	_ =	shalt  }
0x4f: {  	_ =	shalt  }
0x50: {  	_ =	shalt  }
0x51: {  	_ =	shalt  }
0x52: {  	_ =	shalt  }
0x53: {  	_ =	shalt  }
0x54: {  	_ =	shalt  }
0x55: {  	_ =	shalt  }
0x56: {  	_ =	shalt  }
0x57: {  	_ =	shalt  }
0x58: {  	_ =	shalt  }
0x59: {  	_ =	shalt  }
0x5a: {  	_ =	shalt  }
0x5b: {  	_ =	shalt  }
0x5c: {  	_ =	shalt  }
0x5d: {  	_ =	shalt  }
0x5e: {  	_ =	shalt  }
0x5f: {  	_ =	shalt  }
0x60: {  	_ =	shalt  }
0x61: {  	_ =	shalt  }
0x62: {  	_ =	shalt  }
0x63: {  	_ =	shalt  }
0x64: {  	_ =	shalt  }
0x65: {  	_ =	shalt  }
0x66: {  	_ =	shalt  }
0x67: {  	_ =	shalt  }
0x68: {  	_ =	shalt  }
0x69: {  	_ =	shalt  }
0x6a: {  	_ =	shalt  }
0x6b: {  	_ =	shalt  }
0x6c: {  	_ =	shalt  }
0x6d: {  	_ =	shalt  }
0x6e: {  	_ =	shalt  }
0x6f: {  	_ =	shalt  }
0x70: {  	_ =	shalt  }
0x71: {  	_ =	shalt  }
0x72: {  	_ =	shalt  }
0x73: {  	_ =	shalt  }
0x74: {  	_ =	shalt  }
0x75: {  	_ =	shalt  }
0x76: {  	_ =	shalt  }
0x77: {  	_ =	shalt  }
0x78: {  	_ =	shalt  }
0x79: {  	_ =	shalt  }
0x7a: {  	_ =	shalt  }
0x7b: {  	_ =	shalt  }
0x7c: {  	_ =	shalt  }
0x7d: {  	_ =	shalt  }
0x7e: {  	_ =	shalt  }
0x7f: {  	_ =	shalt  }
0x80: {  	_ =	shalt  }
0x81: {  	_ =	shalt  }
0x82: {  	_ =	shalt  }
0x83: {  	_ =	shalt  }
0x84: {  	_ =	shalt  }
0x85: {  	_ =	shalt  }
0x86: {  	_ =	shalt  }
0x87: {  	_ =	shalt  }
.Lfunc_end0:
.L_simem_size_0:
called_computation.1_lowered:
.L_overlay_start_0:
0x88: {  	s2 =	sld [smem:$0x3FD9]  }
0x89: {  	s3 =	sld [smem:$0x3FFE];
	_ =	sdelay $0x1  }
0x8a: {  	s1 =	srdreg.scid  }
0x8b: {  	s0 =	sand.u32 $0x1, s1  }
0x8c: {  	s14 =	sshll.u32 s0, $0xA;
	s2 =	sadd.s32 s3, s2  }
0x8d: {  	s2 =	sadd.s32 s2, s14  }
0x8e: {  	[smem:$0x3FC2] =	sst s2  }
0x8f: {  	_ = 	snop  }
0x90: {  	s2 =	sld [smem:$0x3FD0];
	_ =	sdelay $0x2  }
0x91: {  	s15 =	simm.s32 $0xA;
	s4 =	simm.s32 $0x10  }
0x92: {  	[smem:s4], [sflag:s15] =	dma.local [hbm:s2], $0x1  }
0x93: {  	_ =	swait.eq [sflag:s15], $0x1  }
0x94: {  	[sflag:s15] =	ssyncset.done $0x0  }
0x95: {  	[sflag:s15] =	ssyncadd.s32 $0xFFFFFFFF  }
0x96: {  	s16 =	sld [smem:$0x11];
	(tm) =	ssettm $0x1  }
0x97: {  	s17 =	sld [smem:$0x3FFB];
	_ =	sdelay $0x3  }
0x98: {  	_ =	strace s17  }
0x99: {  	s3 =	sld [smem:$0x3FFC];
	_ =	sdelay $0x3  }
0x9a: {  	_ =	strace s3  }
0x9b: {  	s3 =	sld [smem:$0x3FFD];
	_ =	sdelay $0x3  }
0x9c: {  	_ =	strace s3  }
0x9d: {  	_ =	strace $0x8FFFFFFF  }
0x9e: {  	s18 =	sld [smem:$0x3FDB];
	_ =	sdelay $0x1  }
0x9f: {  	s19 =	simm.s32 $_scs_section_size  }
0xa0: {  	s5 =	simm.s32 $_size__tile_overlayer_lowered;
	s6 =	simm.s32 $_tile_overlayer_lowered  }
0xa1: {  	s22 =	simm.s32 $0x1BFF;
	s21 =	sshll.u32 s6, $0x1;
	s3 =	sadd.s32 s19, s18  }
0xa2: {  	s7 =	simm.s32 $0x0;
	s20 =	sshll.u32 s5, $0x1;
	s5 =	sadd.s32 s21, s3  }
0xa3: {  	[timem:s7], [sflag:s22] =	dma.local [hbm:s5], s20  }
0xa4: {  	_ =	swait.ge [sflag:s22], s20  }
0xa5: {  	s4 =	ssub.s32 $0x0, s20;
	[sflag:s22] =	ssyncset.done $0x0  }
0xa6: {  	[sflag:s22] =	ssyncadd.s32 s4;
	_ =	sdelay $0x1  }
0xa7: {  	s23 =	simm.s32 $0x1B8B  }
0xa8: {  	_ =	swait.ge [sflag:s23], $0x1  }
0xa9: {  	[sflag:s23] =	ssyncset.done $0x0  }
0xaa: {  	s25 =	simm.s32 $0x1B8E;
	s24 =	sld [smem:$0x3FFE];
	[sflag:s23] =	ssyncadd.s32 $0xFFFFFFFF  }
0xab: {  	s26 =	simm.s32 $execute0_lowered;
	[smem:$0x3FD2] =	sst s25  }
0xac: {  	s5 =	sshll.u32 s26, $0x1;
	_ =	strace $0x80000046;
	[dreg:$0x1] =	wrdreg $0xFFFFFFFF  }
0xad: {  	s28 =	simm.s32 $_size_execute0_lowered;
	s3 =	sadd.s32 s3, s5;
	[dreg:$0x0] =	wrdreg $0x0  }
0xae: {  	s5 =	sshll.u32 s28, $0x1;
	[dreg:$0x2] =	wrdreg s3  }
0xaf: {  	[dreg:$0x3] =	wrdreg s5  }
0xb0: {  	[dreg:$0x4] =	wrdreg $0xC0  }
0xb1: {  	_ =	task [dreg:s7], $0x5FFFF  }
0xb2: {  	[dreg:$0x1] =	wrdreg $0xFFFFFFFF  }
0xb3: {  	[dreg:$0x0] =	wrdreg $0x60  }
0xb4: {  	[dreg:$0x2] =	wrdreg s24  }
0xb5: {  	[dreg:$0x3] =	wrdreg s16  }
0xb6: {  	[dreg:$0x4] =	wrdreg $0x9  }
0xb7: {  	_ =	task.clear_ibuf [dreg:s7], $0x5FFFF;
	_ =	strace $0x90000046  }
0xb8: {  	s29 =	simm.s32 $0x9;
	_ =	strace $0x80000048  }
0xb9: {  	_ =	swait.ge [sflag:s29], $0x1  }
0xba: {  	[sflag:s29] =	ssyncadd.s32 $0xFFFFFFFF  }
0xbb: {  	_ =	strace $0x90000048  }
0xbc: {  	_ =	sfence  }
0xbd: {  	s30 =	sld [smem:$0x0];
	_ =	sdelay $0x2  }
0xbe: {  	s31 =	sshll.u32 s1, $0xD;
	s1 =	sshrl.u32 s1, $0x2  }
0xbf: {  	s3 =	sand.u32 $0x4000, s31;
	s1 =	sadd.s32 s1, s30  }
0xc0: {  	s0 =	sor.u32 s3, s0;
	s1 =	sshll.u32 s1, $0x11  }
0xc1: {  	s0 =	sor.u32 s1, s0  }
0xc2: {  	s0 =	sadd.s32 $0x8F2B, s0  }
0xc3: {  	[sflag:s0] =	ssyncadd.remote.s32 $0x1  }
0xc4: {  	_ =	sfence.sel $0xFFFF  }
0xc5: {  	[dreg:$0x0] =	wrdreg $0xFFFFFFFF;
	(pc) =	sbr.abs _section_cstart, $3  }
0xc6: {  	[dreg:$0x1] =	wrdreg $0xFFFFFFFF  }
0xc7: {  	_ =	task.clear_ibuf [dreg:s7], $0x2FFFF;
	_ =	strace $0x9FFFFFFF  }
0xc8: {  	(tm) =	ssettm $0x7FFFFFFF  }
0xc9: {  	_ =	shalt  }
tec
execute0_lowered:
.L_overlay_start_1:
0x0: {  	(tag) =	ssettag $0x1  }
0x1: {  	s2 =	stileid.u32;
	s4 =	rddreg [dreg:$0x0]  }
0x2: {  	s3 =	rddreg [dreg:$0x1];
	s16 =	sshll.u32 s2, $0x1;
	s2 =	simm.s32 $0x0  }
0x3: {  	s18 =	simm.s32 $0x1500;
	[smem:$0x7FF] =	sst s2  }
0x4: {  	s19 =	simm.s32 $0x100;
	_ =	strace $0x80000047;
	[dreg:$0x5] =	wrdreg s18  }
0x5: {  	s20 =	simm.s32 $0x1D00;
	[dreg:$0x6] =	wrdreg s19  }
0x6: {  	s21 =	simm.s32 $0x180;
	[dreg:$0x7] =	wrdreg s20  }
0x7: {  	s22 =	simm.s32 $0x2500;
	[dreg:$0x8] =	wrdreg s21  }
0x8: {  	s23 =	simm.s32 $0x200;
	[dreg:$0x9] =	wrdreg s22  }
0x9: {  	s24 =	simm.s32 $0x2D00;
	[dreg:$0xa] =	wrdreg s23  }
0xa: {  	s25 =	simm.s32 $0x280;
	[dreg:$0xb] =	wrdreg s24  }
0xb: {  	s26 =	simm.s32 $0x3500;
	[dreg:$0xc] =	wrdreg s25  }
0xc: {  	s6 =	simm.s32 $0x380;
	[dreg:$0xd] =	wrdreg s26  }
0xd: {  	s7 =	simm.s32 $0x4500;
	[dreg:$0x10] =	wrdreg s6  }
0xe: {  	s8 =	simm.s32 $0x400;
	[dreg:$0x11] =	wrdreg s7  }
0xf: {  	s9 =	simm.s32 $0x4D00;
	[dreg:$0x12] =	wrdreg s8  }
0x10: {  	s10 =	simm.s32 $0x480;
	[dreg:$0x13] =	wrdreg s9  }
0x11: {  	s11 =	simm.s32 $0x5500;
	[dreg:$0x14] =	wrdreg s10  }
0x12: {  	s12 =	simm.s32 $0x500;
	[dreg:$0x15] =	wrdreg s11  }
0x13: {  	s13 =	simm.s32 $0x5D00;
	[dreg:$0x16] =	wrdreg s12  }
0x14: {  	s0 =	srdreg.scid;
	s14 =	simm.s32 $0x580;
	[dreg:$0x17] =	wrdreg s13  }
0x15: {  	s15 =	simm.s32 $0x6500;
	s1 =	sand.u32 $0x1, s0;
	[dreg:$0x18] =	wrdreg s14  }
0x16: {  	s0 =	sor.u32 s1, s16;
	s16 =	simm.s32 $0x600;
	[dreg:$0x19] =	wrdreg s15  }
0x17: {  	s5 =	smul.u32 $0x1A00, s0;
	[dreg:$0x1a] =	wrdreg s16;
	s18 =	simm.s32 $0x680  }
0x18: {  	s0 =	smul.u32 $0x1A0, s0;
	s19 =	simm.s32 $0x7500;
	[dreg:$0x1c] =	wrdreg s18  }
0x19: {  	s21 =	simm.s32 $0x700;
	[dreg:$0x1d] =	wrdreg s19  }
0x1a: {  	[dreg:$0x1e] =	wrdreg s21;
	s0 =	sadd.s32 s3, s0  }
0x1b: {  	s5 =	sadd.s32 s5, s4;
	s3 =	simm.s32 $0x300;
	[dreg:$0x3] =	wrdreg s0  }
0x1c: {  	s17 =	sadd.s32 $0xC6400, s5;
	[dreg:$0xe] =	wrdreg s3  }
0x1d: {  	s5 =	simm.s32 $0x3D00;
	[dreg:$0x4] =	wrdreg s17  }
0x1e: {  	[dreg:$0xf] =	wrdreg s5  }
0x1f: {  	s17 =	simm.s32 $0x6D00;
	s20 =	rddreg [dreg:$0x3]  }
0x20: {  	s3 =	simm.s32 $0x2;
	[dreg:$0x1b] =	wrdreg s17  }
0x21: {  	[tilespmem:s2], [sflag:$0x2] =	stream.linear.gather [hbm4b:s20+s2], $0xD00, $0x38;
	[tilespmem:$0xDD00] =	vst v63  }
0x22: {  	_ =	swait.ge [sflag:s3], $0xD00  }
0x23: {  	s22 =	rddreg [dreg:$0x1b]  }
0x24: {  	s7 =	rddreg [dreg:$0x19]  }
0x25: {  	s8 =	rddreg [dreg:$0x17]  }
0x26: {  	s9 =	rddreg [dreg:$0x15]  }
0x27: {  	s10 =	rddreg [dreg:$0x13]  }
0x28: {  	s11 =	rddreg [dreg:$0x11]  }
0x29: {  	s12 =	rddreg [dreg:$0xf]  }
0x2a: {  	s13 =	rddreg [dreg:$0xd]  }
0x2b: {  	s6 =	simm.s32 $0x80;
	s14 =	rddreg [dreg:$0xb]  }
0x2c: {  	s5 =	sadd.s32 $0x2400, s4;
	s15 =	rddreg [dreg:$0x6];
	[sflag:s3] =	ssyncset.done $0x0  }
0x2d: {  	s4 =	simm.s32 $0xD00;
	s16 =	rddreg [dreg:$0x5];
	[sflag:s3] =	ssyncadd.s32 $0xFFFFF300  }
0x2e: {  	[tilespmem:s4], [sflag:$0x1] =	stream.indirect.gather [hbm4b:s5+s6], $0x10, s2, s6, $0xb8;
	[tilespmem:$0xDD00] =	vst v63  }
0x2f: {  	s17 =	rddreg [dreg:$0x7]  }
0x30: {  	[tilespmem:s16], [sflag:$0x1] =	stream.indirect.gather [hbm4b:s5+s6], $0x10, s6, s6, $0xb8;
	[tilespmem:$0xDD00] =	vst v63  }
0x31: {  	s18 =	rddreg [dreg:$0x9]  }
0x32: {  	[tilespmem:s17], [sflag:$0x1] =	stream.indirect.gather [hbm4b:s5+s6], $0x10, s15, s6, $0xb8;
	[tilespmem:$0xDD00] =	vst v63  }
0x33: {  	s23 =	rddreg [dreg:$0x8]  }
0x34: {  	[tilespmem:s18], [sflag:$0x1] =	stream.indirect.gather [hbm4b:s5+s6], $0x10, s23, s6, $0xb8;
	[tilespmem:$0xDD00] =	vst v63  }
0x35: {  	s24 =	rddreg [dreg:$0xa]  }
0x36: {  	[tilespmem:s14], [sflag:$0x1] =	stream.indirect.gather [hbm4b:s5+s6], $0x10, s24, s6, $0xb8;
	[tilespmem:$0xDD00] =	vst v63  }
0x37: {  	s25 =	rddreg [dreg:$0xc]  }
0x38: {  	[tilespmem:s13], [sflag:$0x1] =	stream.indirect.gather [hbm4b:s5+s6], $0x10, s25, s6, $0xb8;
	[tilespmem:$0xDD00] =	vst v63  }
0x39: {  	s26 =	rddreg [dreg:$0xe]  }
0x3a: {  	[tilespmem:s12], [sflag:$0x1] =	stream.indirect.gather [hbm4b:s5+s6], $0x10, s26, s6, $0xb8;
	[tilespmem:$0xDD00] =	vst v63  }
0x3b: {  	s15 =	rddreg [dreg:$0x10]  }
0x3c: {  	[tilespmem:s11], [sflag:$0x1] =	stream.indirect.gather [hbm4b:s5+s6], $0x10, s15, s6, $0xb8;
	[tilespmem:$0xDD00] =	vst v63  }
0x3d: {  	s16 =	rddreg [dreg:$0x12]  }
0x3e: {  	[tilespmem:s10], [sflag:$0x1] =	stream.indirect.gather [hbm4b:s5+s6], $0x10, s16, s6, $0xb8;
	[tilespmem:$0xDD00] =	vst v63  }
0x3f: {  	s17 =	rddreg [dreg:$0x14]  }
0x40: {  	[tilespmem:s9], [sflag:$0x1] =	stream.indirect.gather [hbm4b:s5+s6], $0x10, s17, s6, $0xb8;
	[tilespmem:$0xDD00] =	vst v63  }
0x41: {  	s18 =	rddreg [dreg:$0x16]  }
0x42: {  	[tilespmem:s8], [sflag:$0x1] =	stream.indirect.gather [hbm4b:s5+s6], $0x10, s18, s6, $0xb8;
	[tilespmem:$0xDD00] =	vst v63  }
0x43: {  	s19 =	rddreg [dreg:$0x18]  }
0x44: {  	[tilespmem:s7], [sflag:$0x1] =	stream.indirect.gather [hbm4b:s5+s6], $0x10, s19, s6, $0xb8;
	[tilespmem:$0xDD00] =	vst v63  }
0x45: {  	s20 =	rddreg [dreg:$0x1a];
	s7 =	simm.s32 $0x1  }
0x46: {  	[tilespmem:s22], [sflag:$0x1] =	stream.indirect.gather [hbm4b:s5+s6], $0x10, s20, s6, $0xb8;
	[tilespmem:$0xDD00] =	vst v63  }
0x47: {  	_ =	swait.ge [sflag:s7], $0x800  }
0x48: {  	[sflag:s7] =	ssyncset.done $0x0  }
0x49: {  	[sflag:s7] =	ssyncadd.s32 $0xFFFFF800  }
0x4a: {  	_ =	swait.ge [sflag:s7], $0x800  }
0x4b: {  	[sflag:s7] =	ssyncset.done $0x0  }
0x4c: {  	[sflag:s7] =	ssyncadd.s32 $0xFFFFF800  }
0x4d: {  	_ =	swait.ge [sflag:s7], $0x800  }
0x4e: {  	[sflag:s7] =	ssyncset.done $0x0  }
0x4f: {  	[sflag:s7] =	ssyncadd.s32 $0xFFFFF800  }
0x50: {  	_ =	swait.ge [sflag:s7], $0x800  }
0x51: {  	[sflag:s7] =	ssyncset.done $0x0  }
0x52: {  	[sflag:s7] =	ssyncadd.s32 $0xFFFFF800  }
0x53: {  	_ =	swait.ge [sflag:s7], $0x800  }
0x54: {  	[sflag:s7] =	ssyncset.done $0x0  }
0x55: {  	[sflag:s7] =	ssyncadd.s32 $0xFFFFF800  }
0x56: {  	_ =	swait.ge [sflag:s7], $0x800  }
0x57: {  	[sflag:s7] =	ssyncset.done $0x0  }
0x58: {  	[sflag:s7] =	ssyncadd.s32 $0xFFFFF800  }
0x59: {  	_ =	swait.ge [sflag:s7], $0x800  }
0x5a: {  	[sflag:s7] =	ssyncset.done $0x0  }
0x5b: {  	[sflag:s7] =	ssyncadd.s32 $0xFFFFF800  }
0x5c: {  	_ =	swait.ge [sflag:s7], $0x800  }
0x5d: {  	[sflag:s7] =	ssyncset.done $0x0  }
0x5e: {  	[sflag:s7] =	ssyncadd.s32 $0xFFFFF800  }
0x5f: {  	_ =	swait.ge [sflag:s7], $0x800  }
0x60: {  	[sflag:s7] =	ssyncset.done $0x0  }
0x61: {  	[sflag:s7] =	ssyncadd.s32 $0xFFFFF800  }
0x62: {  	_ =	swait.ge [sflag:s7], $0x800  }
0x63: {  	[sflag:s7] =	ssyncset.done $0x0  }
0x64: {  	[sflag:s7] =	ssyncadd.s32 $0xFFFFF800  }
0x65: {  	_ =	swait.ge [sflag:s7], $0x800  }
0x66: {  	[sflag:s7] =	ssyncset.done $0x0  }
0x67: {  	[sflag:s7] =	ssyncadd.s32 $0xFFFFF800  }
0x68: {  	_ =	swait.ge [sflag:s7], $0x800  }
0x69: {  	[sflag:s7] =	ssyncset.done $0x0  }
0x6a: {  	[sflag:s7] =	ssyncadd.s32 $0xFFFFF800  }
0x6b: {  	_ =	swait.ge [sflag:s7], $0x800  }
0x6c: {  	s21 =	rddreg [dreg:$0x1c];
	[sflag:s7] =	ssyncset.done $0x0  }
0x6d: {  	s22 =	rddreg [dreg:$0x1d];
	[sflag:s7] =	ssyncadd.s32 $0xFFFFF800  }
0x6e: {  	[tilespmem:s22], [sflag:$0x1] =	stream.indirect.gather [hbm4b:s5+s6], $0x10, s21, s6, $0xb8;
	[tilespmem:$0xDD00] =	vst v63  }
0x6f: {  	s24 =	simm.s32 $0x7D00;
	s23 =	rddreg [dreg:$0x1e]  }
0x70: {  	[tilespmem:s24], [sflag:$0x1] =	stream.indirect.gather [hbm4b:s5+s6], $0x10, s23, s6, $0xb8;
	[tilespmem:$0xDD00] =	vst v63  }
0x71: {  	s25 =	simm.s32 $0x780;
	s26 =	simm.s32 $0x8500  }
0x72: {  	[tilespmem:s26], [sflag:$0x1] =	stream.indirect.gather [hbm4b:s5+s6], $0x10, s25, s6, $0xb8;
	[tilespmem:$0xDD00] =	vst v63  }
0x73: {  	s10 =	simm.s32 $0x8D00;
	s9 =	simm.s32 $0x800  }
0x74: {  	[tilespmem:s10], [sflag:$0x1] =	stream.indirect.gather [hbm4b:s5+s6], $0x10, s9, s6, $0xb8;
	[tilespmem:$0xDD00] =	vst v63  }
0x75: {  	s12 =	simm.s32 $0x9500;
	s11 =	simm.s32 $0x880  }
0x76: {  	[tilespmem:s12], [sflag:$0x1] =	stream.indirect.gather [hbm4b:s5+s6], $0x10, s11, s6, $0xb8;
	[tilespmem:$0xDD00] =	vst v63  }
0x77: {  	s14 =	simm.s32 $0x9D00;
	s13 =	simm.s32 $0x900  }
0x78: {  	[tilespmem:s14], [sflag:$0x1] =	stream.indirect.gather [hbm4b:s5+s6], $0x10, s13, s6, $0xb8;
	[tilespmem:$0xDD00] =	vst v63  }
0x79: {  	s15 =	simm.s32 $0x980;
	s16 =	simm.s32 $0xA500  }
0x7a: {  	[tilespmem:s16], [sflag:$0x1] =	stream.indirect.gather [hbm4b:s5+s6], $0x10, s15, s6, $0xb8;
	[tilespmem:$0xDD00] =	vst v63  }
0x7b: {  	s17 =	simm.s32 $0xA00;
	s18 =	simm.s32 $0xAD00  }
0x7c: {  	[tilespmem:s18], [sflag:$0x1] =	stream.indirect.gather [hbm4b:s5+s6], $0x10, s17, s6, $0xb8;
	[tilespmem:$0xDD00] =	vst v63  }
0x7d: {  	s21 =	simm.s32 $0xA80;
	s22 =	simm.s32 $0xB500  }
0x7e: {  	[tilespmem:s22], [sflag:$0x1] =	stream.indirect.gather [hbm4b:s5+s6], $0x10, s21, s6, $0xb8;
	[tilespmem:$0xDD00] =	vst v63  }
0x7f: {  	s23 =	simm.s32 $0xB00;
	s24 =	simm.s32 $0xBD00  }
0x80: {  	[tilespmem:s24], [sflag:$0x1] =	stream.indirect.gather [hbm4b:s5+s6], $0x10, s23, s6, $0xb8;
	[tilespmem:$0xDD00] =	vst v63  }
0x81: {  	s25 =	simm.s32 $0xB80;
	s26 =	simm.s32 $0xC500  }
0x82: {  	[tilespmem:s26], [sflag:$0x1] =	stream.indirect.gather [hbm4b:s5+s6], $0x10, s25, s6, $0xb8;
	[tilespmem:$0xDD00] =	vst v63  }
0x83: {  	s28 =	simm.s32 $0xC00;
	s29 =	simm.s32 $0xCD00  }
0x84: {  	[tilespmem:s29], [sflag:$0x1] =	stream.indirect.gather [hbm4b:s5+s6], $0x10, s28, s6, $0xb8;
	[tilespmem:$0xDD00] =	vst v63  }
0x85: {  	s30 =	simm.s32 $0xC80;
	s31 =	simm.s32 $0xD500  }
0x86: {  	[tilespmem:s31], [sflag:$0x1] =	stream.indirect.gather [hbm4b:s5+s6], $0x10, s30, s6, $0xb8;
	[tilespmem:$0xDD00] =	vst v63  }
0x87: {  	_ =	swait.ge [sflag:s7], $0x800  }
0x88: {  	[sflag:s7] =	ssyncset.done $0x0  }
0x89: {  	[sflag:s7] =	ssyncadd.s32 $0xFFFFF800  }
0x8a: {  	_ =	swait.ge [sflag:s7], $0x800  }
0x8b: {  	[sflag:s7] =	ssyncset.done $0x0  }
0x8c: {  	[sflag:s7] =	ssyncadd.s32 $0xFFFFF800  }
0x8d: {  	_ =	swait.ge [sflag:s7], $0x800  }
0x8e: {  	[sflag:s7] =	ssyncset.done $0x0  }
0x8f: {  	[sflag:s7] =	ssyncadd.s32 $0xFFFFF800  }
0x90: {  	_ =	swait.ge [sflag:s7], $0x800  }
0x91: {  	[sflag:s7] =	ssyncset.done $0x0  }
0x92: {  	[sflag:s7] =	ssyncadd.s32 $0xFFFFF800  }
0x93: {  	_ =	swait.ge [sflag:s7], $0x800  }
0x94: {  	[sflag:s7] =	ssyncset.done $0x0  }
0x95: {  	[sflag:s7] =	ssyncadd.s32 $0xFFFFF800  }
0x96: {  	_ =	swait.ge [sflag:s7], $0x800  }
0x97: {  	[sflag:s7] =	ssyncset.done $0x0  }
0x98: {  	[sflag:s7] =	ssyncadd.s32 $0xFFFFF800  }
0x99: {  	_ =	swait.ge [sflag:s7], $0x800  }
0x9a: {  	[sflag:s7] =	ssyncset.done $0x0  }
0x9b: {  	[sflag:s7] =	ssyncadd.s32 $0xFFFFF800  }
0x9c: {  	_ =	swait.ge [sflag:s7], $0x800  }
0x9d: {  	s19 =	ssub.s32 $0x2, s1;
	[sflag:s7] =	ssyncset.done $0x0  }
0x9e: {  	s1 =	sshrl.u32 s19, $0x1;
	[sflag:s7] =	ssyncadd.s32 $0xFFFFF800  }
0x9f: {  	s0 =	ssub.s32 s19, s1;
	_ =	swait.ge [sflag:s7], $0x800  }
0xa0: {  	s0 =	smax.u32 s0, $0x1;
	[sflag:s7] =	ssyncset.done $0x0  }
0xa1: {  	p0 =	sne.s32 s0, $0x1;
	[sflag:s7] =	ssyncadd.s32 $0xFFFFF800  }
.Ltmp0:
0xa2: {  	_ =	swait.ge [sflag:s7], $0x800;
	(pc) =	sbr.rel @!p0 .LBB2_2-.Ltmp0, $4  }
0xa3: {  	[sflag:s7] =	ssyncset.done $0x0  }
0xa4: {  	[sflag:s7] =	ssyncadd.s32 $0xFFFFF800  }
0xa5: {  	_ =	swait.ge [sflag:s7], $0x800  }
0xa6: {  	s20 =	simm.s32 $0xAD00;
	s1 =	sadd.s32 $0xFFFFFFFF, s0;
	[sflag:s7] =	ssyncset.done $0x0  }
.LBB2_1:
0xa7: {  	[sflag:s7] =	ssyncadd.s32 $0xFFFFF800  }
0xa8: {  	_ =	swait.ge [sflag:s7], $0x800  }
0xa9: {  	[sflag:s7] =	ssyncset.done $0x0  }
0xaa: {  	[sflag:s7] =	ssyncadd.s32 $0xFFFFF800  }
0xab: {  	_ =	swait.ge [sflag:s7], $0x800  }
0xac: {  	[sflag:s7] =	ssyncset.done $0x0  }
0xad: {  	s0 =	rddreg [dreg:$0x4];
	[sflag:s7] =	ssyncadd.s32 $0xFFFFF800  }
0xae: {  	[hbm4b:s0+s2] =	stream.linear.scatter [tilespmem:s4], [sflag:$0x2], $0xD000, $0x38;
	[tilespmem:$0xDD00] =	vst v63  }
0xaf: {  	_ =	swait.ge [sflag:s3], $0xD000  }
0xb0: {  	[sflag:s3] =	ssyncset.done $0x0  }
0xb1: {  	s17 =	rddreg [dreg:$0x3];
	[sflag:s3] =	ssyncadd.s32 $0xFFFF3000  }
0xb2: {  	[tilespmem:s2], [sflag:$0x2] =	stream.linear.gather [hbm4b:s17+s2], $0xD00, $0x38;
	[tilespmem:$0xDD00] =	vst v63  }
0xb3: {  	_ =	swait.ge [sflag:s3], $0xD00  }
0xb4: {  	s0 =	rddreg [dreg:$0x1b]  }
0xb5: {  	s8 =	rddreg [dreg:$0x19]  }
0xb6: {  	s9 =	rddreg [dreg:$0x17]  }
0xb7: {  	s10 =	rddreg [dreg:$0x15]  }
0xb8: {  	s11 =	rddreg [dreg:$0x13]  }
0xb9: {  	s12 =	rddreg [dreg:$0x11]  }
0xba: {  	s13 =	rddreg [dreg:$0xf]  }
0xbb: {  	s14 =	rddreg [dreg:$0xd]  }
0xbc: {  	s15 =	rddreg [dreg:$0xb]  }
0xbd: {  	[sflag:s3] =	ssyncset.done $0x0;
	s16 =	rddreg [dreg:$0x6]  }
0xbe: {  	s17 =	rddreg [dreg:$0x5];
	[sflag:s3] =	ssyncadd.s32 $0xFFFFF300  }
0xbf: {  	[tilespmem:s4], [sflag:$0x1] =	stream.indirect.gather [hbm4b:s5+s6], $0x10, s2, s6, $0xb8;
	[tilespmem:$0xDD00] =	vst v63  }
0xc0: {  	s18 =	rddreg [dreg:$0x7]  }
0xc1: {  	[tilespmem:s17], [sflag:$0x1] =	stream.indirect.gather [hbm4b:s5+s6], $0x10, s6, s6, $0xb8;
	[tilespmem:$0xDD00] =	vst v63  }
0xc2: {  	s19 =	rddreg [dreg:$0x9]  }
0xc3: {  	[tilespmem:s18], [sflag:$0x1] =	stream.indirect.gather [hbm4b:s5+s6], $0x10, s16, s6, $0xb8;
	[tilespmem:$0xDD00] =	vst v63  }
0xc4: {  	s17 =	rddreg [dreg:$0x8]  }
0xc5: {  	[tilespmem:s19], [sflag:$0x1] =	stream.indirect.gather [hbm4b:s5+s6], $0x10, s17, s6, $0xb8;
	[tilespmem:$0xDD00] =	vst v63  }
0xc6: {  	s18 =	rddreg [dreg:$0xa]  }
0xc7: {  	[tilespmem:s15], [sflag:$0x1] =	stream.indirect.gather [hbm4b:s5+s6], $0x10, s18, s6, $0xb8;
	[tilespmem:$0xDD00] =	vst v63  }
0xc8: {  	s19 =	rddreg [dreg:$0xc]  }
0xc9: {  	[tilespmem:s14], [sflag:$0x1] =	stream.indirect.gather [hbm4b:s5+s6], $0x10, s19, s6, $0xb8;
	[tilespmem:$0xDD00] =	vst v63  }
0xca: {  	s16 =	rddreg [dreg:$0xe]  }
0xcb: {  	[tilespmem:s13], [sflag:$0x1] =	stream.indirect.gather [hbm4b:s5+s6], $0x10, s16, s6, $0xb8;
	[tilespmem:$0xDD00] =	vst v63  }
0xcc: {  	s17 =	rddreg [dreg:$0x10]  }
0xcd: {  	[tilespmem:s12], [sflag:$0x1] =	stream.indirect.gather [hbm4b:s5+s6], $0x10, s17, s6, $0xb8;
	[tilespmem:$0xDD00] =	vst v63  }
0xce: {  	s18 =	rddreg [dreg:$0x12]  }
0xcf: {  	[tilespmem:s11], [sflag:$0x1] =	stream.indirect.gather [hbm4b:s5+s6], $0x10, s18, s6, $0xb8;
	[tilespmem:$0xDD00] =	vst v63  }
0xd0: {  	s19 =	rddreg [dreg:$0x14]  }
0xd1: {  	[tilespmem:s10], [sflag:$0x1] =	stream.indirect.gather [hbm4b:s5+s6], $0x10, s19, s6, $0xb8;
	[tilespmem:$0xDD00] =	vst v63  }
0xd2: {  	s14 =	rddreg [dreg:$0x16]  }
0xd3: {  	[tilespmem:s9], [sflag:$0x1] =	stream.indirect.gather [hbm4b:s5+s6], $0x10, s14, s6, $0xb8;
	[tilespmem:$0xDD00] =	vst v63  }
0xd4: {  	s15 =	rddreg [dreg:$0x18]  }
0xd5: {  	[tilespmem:s8], [sflag:$0x1] =	stream.indirect.gather [hbm4b:s5+s6], $0x10, s15, s6, $0xb8;
	[tilespmem:$0xDD00] =	vst v63  }
0xd6: {  	s16 =	rddreg [dreg:$0x1a]  }
0xd7: {  	[tilespmem:s0], [sflag:$0x1] =	stream.indirect.gather [hbm4b:s5+s6], $0x10, s16, s6, $0xb8;
	[tilespmem:$0xDD00] =	vst v63  }
0xd8: {  	_ =	swait.ge [sflag:s7], $0x800  }
0xd9: {  	[sflag:s7] =	ssyncset.done $0x0  }
0xda: {  	[sflag:s7] =	ssyncadd.s32 $0xFFFFF800  }
0xdb: {  	_ =	swait.ge [sflag:s7], $0x800  }
0xdc: {  	[sflag:s7] =	ssyncset.done $0x0  }
0xdd: {  	[sflag:s7] =	ssyncadd.s32 $0xFFFFF800  }
0xde: {  	_ =	swait.ge [sflag:s7], $0x800  }
0xdf: {  	[sflag:s7] =	ssyncset.done $0x0  }
0xe0: {  	[sflag:s7] =	ssyncadd.s32 $0xFFFFF800  }
0xe1: {  	_ =	swait.ge [sflag:s7], $0x800  }
0xe2: {  	[sflag:s7] =	ssyncset.done $0x0  }
0xe3: {  	[sflag:s7] =	ssyncadd.s32 $0xFFFFF800  }
0xe4: {  	_ =	swait.ge [sflag:s7], $0x800  }
0xe5: {  	[sflag:s7] =	ssyncset.done $0x0  }
0xe6: {  	[sflag:s7] =	ssyncadd.s32 $0xFFFFF800  }
0xe7: {  	_ =	swait.ge [sflag:s7], $0x800  }
0xe8: {  	[sflag:s7] =	ssyncset.done $0x0  }
0xe9: {  	[sflag:s7] =	ssyncadd.s32 $0xFFFFF800  }
0xea: {  	_ =	swait.ge [sflag:s7], $0x800  }
0xeb: {  	[sflag:s7] =	ssyncset.done $0x0  }
0xec: {  	[sflag:s7] =	ssyncadd.s32 $0xFFFFF800  }
0xed: {  	_ =	swait.ge [sflag:s7], $0x800  }
0xee: {  	[sflag:s7] =	ssyncset.done $0x0  }
0xef: {  	[sflag:s7] =	ssyncadd.s32 $0xFFFFF800  }
0xf0: {  	_ =	swait.ge [sflag:s7], $0x800  }
0xf1: {  	[sflag:s7] =	ssyncset.done $0x0  }
0xf2: {  	[sflag:s7] =	ssyncadd.s32 $0xFFFFF800  }
0xf3: {  	_ =	swait.ge [sflag:s7], $0x800  }
0xf4: {  	[sflag:s7] =	ssyncset.done $0x0  }
0xf5: {  	[sflag:s7] =	ssyncadd.s32 $0xFFFFF800  }
0xf6: {  	_ =	swait.ge [sflag:s7], $0x800  }
0xf7: {  	[sflag:s7] =	ssyncset.done $0x0  }
0xf8: {  	[sflag:s7] =	ssyncadd.s32 $0xFFFFF800  }
0xf9: {  	_ =	swait.ge [sflag:s7], $0x800  }
0xfa: {  	[sflag:s7] =	ssyncset.done $0x0  }
0xfb: {  	[sflag:s7] =	ssyncadd.s32 $0xFFFFF800  }
0xfc: {  	_ =	swait.ge [sflag:s7], $0x800  }
0xfd: {  	s17 =	rddreg [dreg:$0x1c];
	[sflag:s7] =	ssyncset.done $0x0  }
0xfe: {  	s18 =	rddreg [dreg:$0x1d];
	[sflag:s7] =	ssyncadd.s32 $0xFFFFF800  }
0xff: {  	[tilespmem:s18], [sflag:$0x1] =	stream.indirect.gather [hbm4b:s5+s6], $0x10, s17, s6, $0xb8;
	[tilespmem:$0xDD00] =	vst v63  }
0x100: {  	s8 =	simm.s32 $0x7D00;
	s19 =	rddreg [dreg:$0x1e]  }
0x101: {  	[tilespmem:s8], [sflag:$0x1] =	stream.indirect.gather [hbm4b:s5+s6], $0x10, s19, s6, $0xb8;
	[tilespmem:$0xDD00] =	vst v63  }
0x102: {  	s10 =	simm.s32 $0x8500;
	s9 =	simm.s32 $0x780  }
0x103: {  	[tilespmem:s10], [sflag:$0x1] =	stream.indirect.gather [hbm4b:s5+s6], $0x10, s9, s6, $0xb8;
	[tilespmem:$0xDD00] =	vst v63  }
0x104: {  	s12 =	simm.s32 $0x8D00;
	s11 =	simm.s32 $0x800  }
0x105: {  	[tilespmem:s12], [sflag:$0x1] =	stream.indirect.gather [hbm4b:s5+s6], $0x10, s11, s6, $0xb8;
	[tilespmem:$0xDD00] =	vst v63  }
0x106: {  	s13 =	simm.s32 $0x880;
	s14 =	simm.s32 $0x9500  }
0x107: {  	[tilespmem:s14], [sflag:$0x1] =	stream.indirect.gather [hbm4b:s5+s6], $0x10, s13, s6, $0xb8;
	[tilespmem:$0xDD00] =	vst v63  }
0x108: {  	s15 =	simm.s32 $0x900;
	s16 =	simm.s32 $0x9D00  }
0x109: {  	[tilespmem:s16], [sflag:$0x1] =	stream.indirect.gather [hbm4b:s5+s6], $0x10, s15, s6, $0xb8;
	[tilespmem:$0xDD00] =	vst v63  }
0x10a: {  	s17 =	simm.s32 $0x980;
	s18 =	simm.s32 $0xA500  }
0x10b: {  	[tilespmem:s18], [sflag:$0x1] =	stream.indirect.gather [hbm4b:s5+s6], $0x10, s17, s6, $0xb8;
	[tilespmem:$0xDD00] =	vst v63  }
0x10c: {  	s19 =	simm.s32 $0xA00  }
0x10d: {  	[tilespmem:s20], [sflag:$0x1] =	stream.indirect.gather [hbm4b:s5+s6], $0x10, s19, s6, $0xb8;
	[tilespmem:$0xDD00] =	vst v63  }
0x10e: {  	_ = 	snop  }
0x10f: {  	[tilespmem:s22], [sflag:$0x1] =	stream.indirect.gather [hbm4b:s5+s6], $0x10, s21, s6, $0xb8;
	[tilespmem:$0xDD00] =	vst v63  }
0x110: {  	_ = 	snop  }
0x111: {  	[tilespmem:s24], [sflag:$0x1] =	stream.indirect.gather [hbm4b:s5+s6], $0x10, s23, s6, $0xb8;
	[tilespmem:$0xDD00] =	vst v63  }
0x112: {  	_ = 	snop  }
0x113: {  	[tilespmem:s26], [sflag:$0x1] =	stream.indirect.gather [hbm4b:s5+s6], $0x10, s25, s6, $0xb8;
	[tilespmem:$0xDD00] =	vst v63  }
0x114: {  	_ = 	snop  }
0x115: {  	[tilespmem:s29], [sflag:$0x1] =	stream.indirect.gather [hbm4b:s5+s6], $0x10, s28, s6, $0xb8;
	[tilespmem:$0xDD00] =	vst v63  }
0x116: {  	_ = 	snop  }
0x117: {  	[tilespmem:s31], [sflag:$0x1] =	stream.indirect.gather [hbm4b:s5+s6], $0x10, s30, s6, $0xb8;
	[tilespmem:$0xDD00] =	vst v63  }
0x118: {  	_ =	swait.ge [sflag:s7], $0x800  }
0x119: {  	[sflag:s7] =	ssyncset.done $0x0  }
0x11a: {  	[sflag:s7] =	ssyncadd.s32 $0xFFFFF800  }
0x11b: {  	_ =	swait.ge [sflag:s7], $0x800  }
0x11c: {  	[sflag:s7] =	ssyncset.done $0x0  }
0x11d: {  	[sflag:s7] =	ssyncadd.s32 $0xFFFFF800  }
0x11e: {  	_ =	swait.ge [sflag:s7], $0x800  }
0x11f: {  	[sflag:s7] =	ssyncset.done $0x0  }
0x120: {  	[sflag:s7] =	ssyncadd.s32 $0xFFFFF800  }
0x121: {  	_ =	swait.ge [sflag:s7], $0x800  }
0x122: {  	[sflag:s7] =	ssyncset.done $0x0  }
0x123: {  	[sflag:s7] =	ssyncadd.s32 $0xFFFFF800  }
0x124: {  	_ =	swait.ge [sflag:s7], $0x800  }
0x125: {  	[sflag:s7] =	ssyncset.done $0x0  }
0x126: {  	[sflag:s7] =	ssyncadd.s32 $0xFFFFF800  }
0x127: {  	_ =	swait.ge [sflag:s7], $0x800  }
0x128: {  	[sflag:s7] =	ssyncset.done $0x0  }
0x129: {  	[sflag:s7] =	ssyncadd.s32 $0xFFFFF800  }
0x12a: {  	_ =	swait.ge [sflag:s7], $0x800  }
0x12b: {  	[sflag:s7] =	ssyncset.done $0x0  }
0x12c: {  	[sflag:s7] =	ssyncadd.s32 $0xFFFFF800  }
0x12d: {  	_ =	swait.ge [sflag:s7], $0x800  }
0x12e: {  	[sflag:s7] =	ssyncset.done $0x0  }
0x12f: {  	[sflag:s7] =	ssyncadd.s32 $0xFFFFF800  }
0x130: {  	_ =	swait.ge [sflag:s7], $0x800  }
0x131: {  	[sflag:s7] =	ssyncset.done $0x0  }
0x132: {  	p0 =	sne.s32 s1, $0x1;
	[sflag:s7] =	ssyncadd.s32 $0xFFFFF800  }
.Ltmp1:
0x133: {  	_ =	swait.ge [sflag:s7], $0x800;
	(pc) =	sbr.rel @p0 .LBB2_1-.Ltmp1, $4  }
0x134: {  	[sflag:s7] =	ssyncset.done $0x0  }
0x135: {  	[sflag:s7] =	ssyncadd.s32 $0xFFFFF800  }
0x136: {  	_ =	swait.ge [sflag:s7], $0x800  }
0x137: {  	s1 =	sadd.s32 $0xFFFFFFFF, s1;
	[sflag:s7] =	ssyncset.done $0x0  }
.LBB2_2:
0x138: {  	[sflag:s7] =	ssyncadd.s32 $0xFFFFF800  }
0x139: {  	_ =	swait.ge [sflag:s7], $0x800  }
0x13a: {  	[sflag:s7] =	ssyncset.done $0x0  }
0x13b: {  	[sflag:s7] =	ssyncadd.s32 $0xFFFFF800  }
0x13c: {  	_ =	swait.ge [sflag:s7], $0x800  }
0x13d: {  	[sflag:s7] =	ssyncset.done $0x0  }
0x13e: {  	s0 =	rddreg [dreg:$0x4];
	[sflag:s7] =	ssyncadd.s32 $0xFFFFF800  }
0x13f: {  	[hbm4b:s0+s2] =	stream.linear.scatter [tilespmem:s4], [sflag:$0x2], $0xD000, $0x38;
	[tilespmem:$0xDD00] =	vst v63  }
0x140: {  	_ =	swait.ge [sflag:s3], $0xD000  }
0x141: {  	[sflag:s3] =	ssyncset.done $0x0  }
0x142: {  	[sflag:s3] =	ssyncadd.s32 $0xFFFF3000  }
0x143: {  	_ =	sfence.sel $0x180000  }
0x144: {  	[bflag:$0x0] =	sbarrier.arrive $0xFFFF  }
0x145: {  	_ =	strace $0x90000047  }
0x146: {  	s31 =	stileid.u32;
	[bflag:$0x2] =	sbarrier.arrive $0xFFFF  }
0x147: {  	p0 =	sne.s32 s31, $0x0;
	s0 =	rddreg [dreg:$0x2]  }
0x148: {  	s0 =	sadd.s32 @!p0 $0x100000, s0  }
0x149: {  	[sflag:s0] =	ssyncadd.tile.s32 @!p0 $0x1;
	_ =	shalt  }
.Lfunc_end2:
_tile_overlayer_lowered:
.L_overlay_start_2:
0x14a: {  	(tag) =	ssettag $0x2  }
0x14b: {  	s0 =	rddreg [dreg:$0x0];
	s2 =	stileid.u32  }
0x14c: {  	s1 =	rddreg [dreg:$0x1];
	p0 =	sne.s32 s2, $0x0  }
0x14d: {  	s3 =	rddreg [dreg:$0x2];
	[bflag:$0x3] =	sbarrier.arrive $0xFFFF;
	s2 =	simm.s32 @!p0 $0x1C02  }
0x14e: {  	[timem:s3], [sflag:s2] =	dma.local @!p0 [hbm:s0], s1  }
0x14f: {  	s0 =	simm.s32 @!p0 $0x2  }
0x150: {  	_ =	swait.ge @!p0 [sflag:s0], s1  }
0x151: {  	s1 =	ssub.s32 @!p0 $0x0, s1;
	[sflag:s0] =	ssyncset.done @!p0 $0x0  }
0x152: {  	[sflag:s0] =	ssyncadd.s32 @!p0 s1  }
0x153: {  	[bflag:$0x3] =	sbarrier.arrive $0xFFFF  }
0x154: {  	_ =	shalt  }

</sc_bundles>
